<compile_context>
chip_gen: v7x
topology: tpu7x:2x2x1
jax: 0.10.2.dev20260603
libtpu: 0.0.44.dev20260713+nightly
codegen_flags: <defaults>
</compile_context>

<pallas_src>
import functools

import jax
import jax.numpy as jnp
from jax import lax
from jax.experimental import pallas as pl
from jax.experimental.pallas import tpu as pltpu
from jax.experimental.pallas import tpu_sc as plsc

NODE = 10000
D = 128
E = 320000
ALPHA = 0.5
NC = 2
NS = 16
NW = NC * NS
B = 64
NCHUNK = 160
EPW = NCHUNK * B
EPAD = NW * EPW - E
NP = 10240
ROWS_PER_TILE = NP // NS


def _prologue_body(f_ref, ha_ref, da_ref, g_ref, qt_ref):
    F = jnp.tanh(f_ref[...])
    w = ha_ref[...] - ALPHA * da_ref[...]
    p = lax.dot_general(F, w, (((1,), (0,)), ((), ())),
                        preferred_element_type=jnp.float32)
    q = jnp.exp(p)
    g_ref[...] = F * q
    qt_ref[...] = lax.transpose(q, (1, 0))


def _epilogue_body(h0_ref, h1_ref, qp_ref, o_ref):
    h = h0_ref[...] + h1_ref[...]
    qs = jnp.sum(qp_ref[...], axis=0)
    qc = qs[:NODE, None]
    o_ref[...] = jnp.tanh(jnp.where(qc > 0, h[:NODE] / qc, 0.0))


def _sc_body(g_hbm, q_hbm, row3_hbm, col3_hbm, zero_hbm, zq_hbm,
             out0_hbm, out1_hbm, qp_hbm,
             qtab, qpart, colv0, colv1, colv2, rowv0, rowv1, rowv2,
             rvs0, rvs1, rvs2, rows0, rows1, rows2, acc,
             gs0, gs1, gs2, ss0, ss1, ss2, is0, is1, is2):
    cid = lax.axis_index("c")
    sid = lax.axis_index("s")
    wid = cid * NS + sid
    zbase = sid * ROWS_PER_TILE
    pltpu.sync_copy(zero_hbm.at[pl.ds(0, ROWS_PER_TILE)],
                    acc.at[pl.ds(zbase, ROWS_PER_TILE)])
    pltpu.sync_copy(zq_hbm, qpart)
    pltpu.sync_copy(q_hbm.at[0], qtab)
    plsc.subcore_barrier()

    rows = (rows0, rows1, rows2)
    rowv = (rowv0, rowv1, rowv2)
    rvs = (rvs0, rvs1, rvs2)
    colv = (colv0, colv1, colv2)
    gsem = (gs0, gs1, gs2)
    ssem = (ss0, ss1, ss2)
    isem = (is0, is1, is2)

    def g_start(a):
        pltpu.async_copy(g_hbm.at[colv[a]], rows[a], gsem[a])

    def g_wait(a):
        pltpu.make_async_copy(g_hbm.at[colv[a]], rows[a], gsem[a]).wait()

    def i_start(c, a):
        pltpu.async_copy(col3_hbm.at[wid, c], colv[a], isem[a])
        pltpu.async_copy(row3_hbm.at[wid, c], rowv[a], isem[a])

    def i_wait(c, a):
        pltpu.make_async_copy(col3_hbm.at[wid, c], colv[a], isem[a]).wait()
        pltpu.make_async_copy(row3_hbm.at[wid, c], rowv[a], isem[a]).wait()

    def s_start(a):
        pltpu.async_copy(rows[a], acc.at[rvs[a]], ssem[a], add=True)

    def s_wait(a):
        pltpu.make_async_copy(rows[a], acc.at[rvs[a]], ssem[a]).wait()

    def rv_copy(a):
        for g in range(B // 16):
            rvs[a][pl.ds(g * 16, 16)] = rowv[a][pl.ds(g * 16, 16)]

    def q_accum(a):
        for g in range(B // 16):
            cv = colv[a][pl.ds(g * 16, 16)]
            rv = rowv[a][pl.ds(g * 16, 16)]
            qe = plsc.load_gather(qtab, [cv])
            plsc.addupdate_scatter(qpart, [rv], qe)

    i_start(0, 0)
    i_start(1, 1)
    i_wait(0, 0)
    rv_copy(0)
    g_start(0)
    i_wait(1, 1)
    rv_copy(1)
    g_start(1)
    i_start(2, 2)

    NITER = (NCHUNK - 1) // 3

    def body(j, carry):
        c0 = 3 * j
        for k in range(3):
            c = c0 + k
            a = k % 3
            prev = (k + 2) % 3
            g_wait(a)
            s_start(a)
            q_accum(a)
            if k == 0:
                @pl.when(j > 0)
                def _():
                    s_wait(prev)
                i_wait(c + 2, prev)
                rv_copy(prev)
                i_start(c + 3, a)
                g_start(prev)
            elif k == 1:
                s_wait(prev)
                i_wait(c + 2, prev)
                rv_copy(prev)

                @pl.when(j < NITER - 1)
                def _():
                    i_start(c + 3, a)
                g_start(prev)
            else:
                s_wait(prev)

                @pl.when(j < NITER - 1)
                def _():
                    i_wait(c + 2, prev)
                    rv_copy(prev)
                    i_start(c + 3, a)
                    g_start(prev)
        return carry

    lax.fori_loop(0, NITER, body, 0)
    c_last = NCHUNK - 1
    a_last = c_last % 3
    g_wait(a_last)
    s_start(a_last)
    q_accum(a_last)
    s_wait((c_last + 2) % 3)
    s_wait(a_last)
    plsc.subcore_barrier()

    src = acc.at[pl.ds(zbase, ROWS_PER_TILE)]

    @pl.when(cid == 0)
    def _():
        pltpu.sync_copy(src, out0_hbm.at[pl.ds(zbase, ROWS_PER_TILE)])

    @pl.when(cid == 1)
    def _():
        pltpu.sync_copy(src, out1_hbm.at[pl.ds(zbase, ROWS_PER_TILE)])

    pltpu.sync_copy(qpart, qp_hbm.at[wid])


def kernel(features, adj_nei, high_att_0, diff_att_0):
    g, qt = pl.pallas_call(
        _prologue_body,
        out_shape=(jax.ShapeDtypeStruct((NODE, D), jnp.float32),
                   jax.ShapeDtypeStruct((1, NODE), jnp.float32)),
    )(features, high_att_0, diff_att_0)

    pad_i = jnp.arange(EPAD, dtype=jnp.int32)
    row3 = jnp.concatenate(
        [adj_nei[0], NODE + pad_i % (NP - NODE)]).reshape(NW, NCHUNK, B)
    col3 = jnp.concatenate(
        [adj_nei[1], pad_i % NODE]).reshape(NW, NCHUNK, B)
    zeros = jnp.zeros((ROWS_PER_TILE, D), jnp.float32)
    zq = jnp.zeros((NP,), jnp.float32)

    sc_fn = functools.partial(
        pl.kernel,
        mesh=plsc.VectorSubcoreMesh(core_axis_name="c", subcore_axis_name="s"),
        out_type=(jax.ShapeDtypeStruct((NP, D), jnp.float32),
                  jax.ShapeDtypeStruct((NP, D), jnp.float32),
                  jax.ShapeDtypeStruct((NW, NP), jnp.float32)),
        scratch_types=(
            [pltpu.VMEM((NODE,), jnp.float32),
             pltpu.VMEM((NP,), jnp.float32)]
            + [pltpu.VMEM((B,), jnp.int32) for _ in range(9)]
            + [pltpu.VMEM((B, D), jnp.float32) for _ in range(3)]
            + [pltpu.VMEM_SHARED((NP, D), jnp.float32)]
            + [pltpu.SemaphoreType.DMA for _ in range(9)]
        ),
        compiler_params=pltpu.CompilerParams(needs_layout_passes=False),
    )(_sc_body)
    hp0, hp1, qparts = sc_fn(g, qt, row3, col3, zeros, zq)

    out = pl.pallas_call(
        _epilogue_body,
        out_shape=jax.ShapeDtypeStruct((NODE, D), jnp.float32),
    )(hp0, hp1, qparts)
    return out

# --- scband reference (transcript-rebuilt; emitter-appended) ---
"""Pipeline reference for scband-diff-graph-attention-58969900974822 (READ-ONLY COPY).

The authoritative reference and input builder live on the scoring server;
editing this copy changes nothing except your own understanding.
"""

import jax, jax.numpy as jnp
import numpy as np

NODE_SIZE = 10000
NODE_DIM = 128
N_EDGES = 320000
ALPHA = 0.5

def setup_inputs(seed: int = 0) -> dict:
    key = jax.random.key(seed)
    k1, k2, k3, k4 = jax.random.split(key, 4)
    features = jax.random.normal(k1, (NODE_SIZE, NODE_DIM), dtype=jnp.float32)
    adj_nei = jax.random.randint(k2, (2, N_EDGES), 0, NODE_SIZE, dtype=jnp.int32)
    # xavier_uniform for shape (node_dim, 1): bound = sqrt(6/(fan_in+fan_out)) = sqrt(6/(node_dim+1))
    bound = float(np.sqrt(6.0 / (NODE_DIM + 1)))
    high_att_0 = jax.random.uniform(k3, (NODE_DIM, 1), minval=-bound, maxval=bound, dtype=jnp.float32)
    diff_att_0 = jax.random.uniform(k4, (NODE_DIM, 1), minval=-bound, maxval=bound, dtype=jnp.float32)
    return {"features": features, "adj_nei": adj_nei, "high_att_0": high_att_0, "diff_att_0": diff_att_0}

def reference(features, adj_nei, high_att_0, diff_att_0):
    feats = jnp.tanh(features)
    row = adj_nei[0]
    col = adj_nei[1]
    # depth = 1 -> single layer
    neighs = jnp.take(feats, col, axis=0)                      # gather [E, d]
    main_att = jnp.squeeze(neighs @ high_att_0, axis=-1)       # [E]
    diff_att_score = jnp.squeeze(neighs @ diff_att_0, axis=-1) # [E]
    combined_att = main_att - ALPHA * diff_att_score
    # sparse softmax over dim=1 == per-row (src-node) softmax over stored edge values
    seg_max = jax.ops.segment_max(combined_att, row, num_segments=NODE_SIZE)
    ex = jnp.exp(combined_att - jnp.take(seg_max, row, axis=0))
    seg_sum = jax.ops.segment_sum(ex, row, num_segments=NODE_SIZE)
    att = ex / jnp.take(seg_sum, row, axis=0)
    weighted_neighs = neighs * att[:, None]
    new_features = jax.ops.segment_sum(weighted_neighs, row, num_segments=NODE_SIZE)
    feats = jnp.tanh(new_features)
    return feats

if __name__ == "__main__":
    import jax
    _d = setup_inputs()
    print(jax.jit(kernel)(*tuple(_d.values())))

</pallas_src>

<mosaic_0001>
#map = affine_map<(d0, d1) -> (0, 0)>
#map1 = affine_map<(d0, d1) -> (0, 0, 0)>
#map2 = affine_map<(d0, d1) -> (0)>
module attributes {stable_mosaic.version = 14 : i64} {
  func.func @_sc_body(%arg0: i32, %arg1: i32, %arg2: memref<10000x128xf32, #tpu.memory_space<hbm>>, %arg3: memref<1x10000xf32, #tpu.memory_space<hbm>>, %arg4: memref<32x160x64xi32, #tpu.memory_space<hbm>>, %arg5: memref<32x160x64xi32, #tpu.memory_space<hbm>>, %arg6: memref<640x128xf32, #tpu.memory_space<hbm>>, %arg7: memref<10240xf32, #tpu.memory_space<hbm>>, %arg8: memref<10240x128xf32, #tpu.memory_space<hbm>>, %arg9: memref<10240x128xf32, #tpu.memory_space<hbm>>, %arg10: memref<32x10240xf32, #tpu.memory_space<hbm>>, %arg11: memref<10000xf32, #tpu.memory_space<vmem>>, %arg12: memref<10240xf32, #tpu.memory_space<vmem>>, %arg13: memref<64xi32, #tpu.memory_space<vmem>>, %arg14: memref<64xi32, #tpu.memory_space<vmem>>, %arg15: memref<64xi32, #tpu.memory_space<vmem>>, %arg16: memref<64xi32, #tpu.memory_space<vmem>>, %arg17: memref<64xi32, #tpu.memory_space<vmem>>, %arg18: memref<64xi32, #tpu.memory_space<vmem>>, %arg19: memref<64xi32, #tpu.memory_space<vmem>>, %arg20: memref<64xi32, #tpu.memory_space<vmem>>, %arg21: memref<64xi32, #tpu.memory_space<vmem>>, %arg22: memref<64x128xf32, #tpu.memory_space<vmem>>, %arg23: memref<64x128xf32, #tpu.memory_space<vmem>>, %arg24: memref<64x128xf32, #tpu.memory_space<vmem>>, %arg25: memref<10240x128xf32, #tpu.memory_space<vmem_shared>>, %arg26: memref<!tpu.dma_semaphore, #tpu.memory_space<semaphore_mem>>, %arg27: memref<!tpu.dma_semaphore, #tpu.memory_space<semaphore_mem>>, %arg28: memref<!tpu.dma_semaphore, #tpu.memory_space<semaphore_mem>>, %arg29: memref<!tpu.dma_semaphore, #tpu.memory_space<semaphore_mem>>, %arg30: memref<!tpu.dma_semaphore, #tpu.memory_space<semaphore_mem>>, %arg31: memref<!tpu.dma_semaphore, #tpu.memory_space<semaphore_mem>>, %arg32: memref<!tpu.dma_semaphore, #tpu.memory_space<semaphore_mem>>, %arg33: memref<!tpu.dma_semaphore, #tpu.memory_space<semaphore_mem>>, %arg34: memref<!tpu.dma_semaphore, #tpu.memory_space<semaphore_mem>>) attributes {dimension_semantics = [#tpu.dimension_semantics<core_parallel>, #tpu.dimension_semantics<subcore_parallel>], iteration_bounds = array<i64: 2, 16>, scalar_prefetch = 0 : i64, scratch_operands = 24 : i64, tpu.core_type = #tpu.core_type<sc_vector_subcore>, window_params = [{transform_indices = #map}, {transform_indices = #map}, {transform_indices = #map1}, {transform_indices = #map1}, {transform_indices = #map}, {transform_indices = #map2}, {transform_indices = #map}, {transform_indices = #map}, {transform_indices = #map}]} {
    %mul3A = arith.constant 16 : i32
    %mul3A_0 = arith.muli %arg0, %mul3A : i32
    %add3A = arith.addi %mul3A_0, %arg1 : i32
    %mul3A_1 = arith.constant 640 : i32
    %mul3A_2 = arith.muli %arg1, %mul3A_1 : i32
    "tpu.region"() ({
      %run_scoped3A_151 = tpu.sem_alloc : memref<!tpu.dma_semaphore, #tpu.memory_space<semaphore_mem>>
      %dma_start3A_152 = arith.constant 0 : i32
      %dma_start3A_153 = tpu.memref_slice %arg25[%mul3A_2, %dma_start3A_152] : memref<10240x128xf32, #tpu.memory_space<vmem_shared>> -> memref<640x128xf32, #tpu.memory_space<vmem_shared>>
      %dma_start3A_154 = arith.constant 0 : i32
      %dma_start3A_155 = arith.constant 0 : i32
      %dma_start3A_156 = tpu.memref_slice %arg6[%dma_start3A_154, %dma_start3A_155] : memref<640x128xf32, #tpu.memory_space<hbm>> -> memref<640x128xf32, #tpu.memory_space<hbm>>
      tpu.enqueue_dma source(%dma_start3A_156 : memref<640x128xf32, #tpu.memory_space<hbm>>) target(%dma_start3A_153 : memref<640x128xf32, #tpu.memory_space<vmem_shared>>) target_semaphore(%run_scoped3A_151 : memref<!tpu.dma_semaphore, #tpu.memory_space<semaphore_mem>>)
      %dma_wait3A_157 = arith.constant 0 : i32
      %dma_wait3A_158 = tpu.memref_slice %arg25[%mul3A_2, %dma_wait3A_157] : memref<10240x128xf32, #tpu.memory_space<vmem_shared>> -> memref<640x128xf32, #tpu.memory_space<vmem_shared>>
      %dma_wait3A_159 = arith.constant 0 : i32
      %dma_wait3A_160 = arith.constant 0 : i32
      %dma_wait3A_161 = tpu.memref_slice %arg6[%dma_wait3A_159, %dma_wait3A_160] : memref<640x128xf32, #tpu.memory_space<hbm>> -> memref<640x128xf32, #tpu.memory_space<hbm>>
      tpu.wait_dma2 semaphore(%run_scoped3A_151 : memref<!tpu.dma_semaphore, #tpu.memory_space<semaphore_mem>>) src(%dma_wait3A_161 : memref<640x128xf32, #tpu.memory_space<hbm>>) dst(%dma_wait3A_158 : memref<640x128xf32, #tpu.memory_space<vmem_shared>>)
      tpu.yield
    }) : () -> ()
    "tpu.region"() ({
      %run_scoped3A_151 = tpu.sem_alloc : memref<!tpu.dma_semaphore, #tpu.memory_space<semaphore_mem>>
      tpu.enqueue_dma source(%arg7 : memref<10240xf32, #tpu.memory_space<hbm>>) target(%arg12 : memref<10240xf32, #tpu.memory_space<vmem>>) target_semaphore(%run_scoped3A_151 : memref<!tpu.dma_semaphore, #tpu.memory_space<semaphore_mem>>)
      tpu.wait_dma2 semaphore(%run_scoped3A_151 : memref<!tpu.dma_semaphore, #tpu.memory_space<semaphore_mem>>) src(%arg7 : memref<10240xf32, #tpu.memory_space<hbm>>) dst(%arg12 : memref<10240xf32, #tpu.memory_space<vmem>>)
      tpu.yield
    }) : () -> ()
    %run_scoped3A = arith.constant 0 : i32
    "tpu.region"() ({
      %run_scoped3A_151 = tpu.sem_alloc : memref<!tpu.dma_semaphore, #tpu.memory_space<semaphore_mem>>
      %dma_start3A_152 = arith.constant 0 : i32
      %dma_start3A_153 = tpu.memref_slice %arg3[%run_scoped3A, %dma_start3A_152] : memref<1x10000xf32, #tpu.memory_space<hbm>> -> memref<1x10000xf32, #tpu.memory_space<hbm>>
      %dma_start3A_154 = tpu.memref_squeeze %dma_start3A_153 : memref<1x10000xf32, #tpu.memory_space<hbm>> -> memref<10000xf32, #tpu.memory_space<hbm>>
      %dma_start3A_155 = arith.constant 0 : i32
      %dma_start3A_156 = tpu.memref_slice %arg3[%run_scoped3A, %dma_start3A_155] : memref<1x10000xf32, #tpu.memory_space<hbm>> -> memref<1x10000xf32, #tpu.memory_space<hbm>>
      %dma_start3A_157 = tpu.memref_squeeze %dma_start3A_156 : memref<1x10000xf32, #tpu.memory_space<hbm>> -> memref<10000xf32, #tpu.memory_space<hbm>>
      tpu.enqueue_dma source(%dma_start3A_157 : memref<10000xf32, #tpu.memory_space<hbm>>) target(%arg11 : memref<10000xf32, #tpu.memory_space<vmem>>) target_semaphore(%run_scoped3A_151 : memref<!tpu.dma_semaphore, #tpu.memory_space<semaphore_mem>>)
      %dma_wait3A_158 = arith.constant 0 : i32
      %dma_wait3A_159 = tpu.memref_slice %arg3[%run_scoped3A, %dma_wait3A_158] : memref<1x10000xf32, #tpu.memory_space<hbm>> -> memref<1x10000xf32, #tpu.memory_space<hbm>>
      %dma_wait3A_160 = tpu.memref_squeeze %dma_wait3A_159 : memref<1x10000xf32, #tpu.memory_space<hbm>> -> memref<10000xf32, #tpu.memory_space<hbm>>
      %dma_wait3A_161 = arith.constant 0 : i32
      %dma_wait3A_162 = tpu.memref_slice %arg3[%run_scoped3A, %dma_wait3A_161] : memref<1x10000xf32, #tpu.memory_space<hbm>> -> memref<1x10000xf32, #tpu.memory_space<hbm>>
      %dma_wait3A_163 = tpu.memref_squeeze %dma_wait3A_162 : memref<1x10000xf32, #tpu.memory_space<hbm>> -> memref<10000xf32, #tpu.memory_space<hbm>>
      tpu.wait_dma2 semaphore(%run_scoped3A_151 : memref<!tpu.dma_semaphore, #tpu.memory_space<semaphore_mem>>) src(%dma_wait3A_163 : memref<10000xf32, #tpu.memory_space<hbm>>) dst(%arg11 : memref<10000xf32, #tpu.memory_space<vmem>>)
      tpu.yield
    }) : () -> ()
    %barrier3A = arith.constant 0 : index
    tpu.barrier barrier_id(%barrier3A)
    %dma_start3A = arith.constant 0 : i32
    %dma_start3A_3 = arith.constant 0 : i32
    %dma_start3A_4 = tpu.memref_slice %arg5[%add3A, %dma_start3A, %dma_start3A_3] : memref<32x160x64xi32, #tpu.memory_space<hbm>> -> memref<1x1x64xi32, #tpu.memory_space<hbm>>
    %dma_start3A_5 = tpu.memref_squeeze %dma_start3A_4 : memref<1x1x64xi32, #tpu.memory_space<hbm>> -> memref<64xi32, #tpu.memory_space<hbm>>
    %dma_start3A_6 = arith.constant 0 : i32
    %dma_start3A_7 = tpu.memref_slice %arg5[%add3A, %dma_start3A, %dma_start3A_6] : memref<32x160x64xi32, #tpu.memory_space<hbm>> -> memref<1x1x64xi32, #tpu.memory_space<hbm>>
    %dma_start3A_8 = tpu.memref_squeeze %dma_start3A_7 : memref<1x1x64xi32, #tpu.memory_space<hbm>> -> memref<64xi32, #tpu.memory_space<hbm>>
    tpu.enqueue_dma source(%dma_start3A_8 : memref<64xi32, #tpu.memory_space<hbm>>) target(%arg13 : memref<64xi32, #tpu.memory_space<vmem>>) target_semaphore(%arg32 : memref<!tpu.dma_semaphore, #tpu.memory_space<semaphore_mem>>)
    %dma_start3A_9 = arith.constant 0 : i32
    %dma_start3A_10 = arith.constant 0 : i32
    %dma_start3A_11 = tpu.memref_slice %arg4[%add3A, %dma_start3A_9, %dma_start3A_10] : memref<32x160x64xi32, #tpu.memory_space<hbm>> -> memref<1x1x64xi32, #tpu.memory_space<hbm>>
    %dma_start3A_12 = tpu.memref_squeeze %dma_start3A_11 : memref<1x1x64xi32, #tpu.memory_space<hbm>> -> memref<64xi32, #tpu.memory_space<hbm>>
    %dma_start3A_13 = arith.constant 0 : i32
    %dma_start3A_14 = tpu.memref_slice %arg4[%add3A, %dma_start3A_9, %dma_start3A_13] : memref<32x160x64xi32, #tpu.memory_space<hbm>> -> memref<1x1x64xi32, #tpu.memory_space<hbm>>
    %dma_start3A_15 = tpu.memref_squeeze %dma_start3A_14 : memref<1x1x64xi32, #tpu.memory_space<hbm>> -> memref<64xi32, #tpu.memory_space<hbm>>
    tpu.enqueue_dma source(%dma_start3A_15 : memref<64xi32, #tpu.memory_space<hbm>>) target(%arg16 : memref<64xi32, #tpu.memory_space<vmem>>) target_semaphore(%arg32 : memref<!tpu.dma_semaphore, #tpu.memory_space<semaphore_mem>>)
    %dma_start3A_16 = arith.constant 1 : i32
    %dma_start3A_17 = arith.constant 0 : i32
    %dma_start3A_18 = tpu.memref_slice %arg5[%add3A, %dma_start3A_16, %dma_start3A_17] : memref<32x160x64xi32, #tpu.memory_space<hbm>> -> memref<1x1x64xi32, #tpu.memory_space<hbm>>
    %dma_start3A_19 = tpu.memref_squeeze %dma_start3A_18 : memref<1x1x64xi32, #tpu.memory_space<hbm>> -> memref<64xi32, #tpu.memory_space<hbm>>
    %dma_start3A_20 = arith.constant 0 : i32
    %dma_start3A_21 = tpu.memref_slice %arg5[%add3A, %dma_start3A_16, %dma_start3A_20] : memref<32x160x64xi32, #tpu.memory_space<hbm>> -> memref<1x1x64xi32, #tpu.memory_space<hbm>>
    %dma_start3A_22 = tpu.memref_squeeze %dma_start3A_21 : memref<1x1x64xi32, #tpu.memory_space<hbm>> -> memref<64xi32, #tpu.memory_space<hbm>>
    tpu.enqueue_dma source(%dma_start3A_22 : memref<64xi32, #tpu.memory_space<hbm>>) target(%arg14 : memref<64xi32, #tpu.memory_space<vmem>>) target_semaphore(%arg33 : memref<!tpu.dma_semaphore, #tpu.memory_space<semaphore_mem>>)
    %dma_start3A_23 = arith.constant 1 : i32
    %dma_start3A_24 = arith.constant 0 : i32
    %dma_start3A_25 = tpu.memref_slice %arg4[%add3A, %dma_start3A_23, %dma_start3A_24] : memref<32x160x64xi32, #tpu.memory_space<hbm>> -> memref<1x1x64xi32, #tpu.memory_space<hbm>>
    %dma_start3A_26 = tpu.memref_squeeze %dma_start3A_25 : memref<1x1x64xi32, #tpu.memory_space<hbm>> -> memref<64xi32, #tpu.memory_space<hbm>>
    %dma_start3A_27 = arith.constant 0 : i32
    %dma_start3A_28 = tpu.memref_slice %arg4[%add3A, %dma_start3A_23, %dma_start3A_27] : memref<32x160x64xi32, #tpu.memory_space<hbm>> -> memref<1x1x64xi32, #tpu.memory_space<hbm>>
    %dma_start3A_29 = tpu.memref_squeeze %dma_start3A_28 : memref<1x1x64xi32, #tpu.memory_space<hbm>> -> memref<64xi32, #tpu.memory_space<hbm>>
    tpu.enqueue_dma source(%dma_start3A_29 : memref<64xi32, #tpu.memory_space<hbm>>) target(%arg17 : memref<64xi32, #tpu.memory_space<vmem>>) target_semaphore(%arg33 : memref<!tpu.dma_semaphore, #tpu.memory_space<semaphore_mem>>)
    %dma_wait3A = arith.constant 0 : i32
    %dma_wait3A_30 = arith.constant 0 : i32
    %dma_wait3A_31 = tpu.memref_slice %arg5[%add3A, %dma_wait3A, %dma_wait3A_30] : memref<32x160x64xi32, #tpu.memory_space<hbm>> -> memref<1x1x64xi32, #tpu.memory_space<hbm>>
    %dma_wait3A_32 = tpu.memref_squeeze %dma_wait3A_31 : memref<1x1x64xi32, #tpu.memory_space<hbm>> -> memref<64xi32, #tpu.memory_space<hbm>>
    %dma_wait3A_33 = arith.constant 0 : i32
    %dma_wait3A_34 = tpu.memref_slice %arg5[%add3A, %dma_wait3A, %dma_wait3A_33] : memref<32x160x64xi32, #tpu.memory_space<hbm>> -> memref<1x1x64xi32, #tpu.memory_space<hbm>>
    %dma_wait3A_35 = tpu.memref_squeeze %dma_wait3A_34 : memref<1x1x64xi32, #tpu.memory_space<hbm>> -> memref<64xi32, #tpu.memory_space<hbm>>
    tpu.wait_dma2 semaphore(%arg32 : memref<!tpu.dma_semaphore, #tpu.memory_space<semaphore_mem>>) src(%dma_wait3A_35 : memref<64xi32, #tpu.memory_space<hbm>>) dst(%arg13 : memref<64xi32, #tpu.memory_space<vmem>>)
    %dma_wait3A_36 = arith.constant 0 : i32
    %dma_wait3A_37 = arith.constant 0 : i32
    %dma_wait3A_38 = tpu.memref_slice %arg4[%add3A, %dma_wait3A_36, %dma_wait3A_37] : memref<32x160x64xi32, #tpu.memory_space<hbm>> -> memref<1x1x64xi32, #tpu.memory_space<hbm>>
    %dma_wait3A_39 = tpu.memref_squeeze %dma_wait3A_38 : memref<1x1x64xi32, #tpu.memory_space<hbm>> -> memref<64xi32, #tpu.memory_space<hbm>>
    %dma_wait3A_40 = arith.constant 0 : i32
    %dma_wait3A_41 = tpu.memref_slice %arg4[%add3A, %dma_wait3A_36, %dma_wait3A_40] : memref<32x160x64xi32, #tpu.memory_space<hbm>> -> memref<1x1x64xi32, #tpu.memory_space<hbm>>
    %dma_wait3A_42 = tpu.memref_squeeze %dma_wait3A_41 : memref<1x1x64xi32, #tpu.memory_space<hbm>> -> memref<64xi32, #tpu.memory_space<hbm>>
    tpu.wait_dma2 semaphore(%arg32 : memref<!tpu.dma_semaphore, #tpu.memory_space<semaphore_mem>>) src(%dma_wait3A_42 : memref<64xi32, #tpu.memory_space<hbm>>) dst(%arg16 : memref<64xi32, #tpu.memory_space<vmem>>)
    %get3A = arith.constant 0 : index
    %get3A_43 = tpu.vector_load %arg16[%get3A] {strides = array<i32>} : memref<64xi32, #tpu.memory_space<vmem>>, vector<16xi32>,
    %swap3A = arith.constant 0 : index
    %swap3A_44 = tpu.vector_load %arg19[%swap3A] {strides = array<i32>} : memref<64xi32, #tpu.memory_space<vmem>>, vector<16xi32>,
    tpu.vector_store %arg19[%swap3A], %get3A_43 {strides = array<i32>} : memref<64xi32, #tpu.memory_space<vmem>>, vector<16xi32>,
    %get3A_45 = arith.constant 16 : index
    %get3A_46 = tpu.vector_load %arg16[%get3A_45] {strides = array<i32>} : memref<64xi32, #tpu.memory_space<vmem>>, vector<16xi32>,
    %swap3A_47 = arith.constant 16 : index
    %swap3A_48 = tpu.vector_load %arg19[%swap3A_47] {strides = array<i32>} : memref<64xi32, #tpu.memory_space<vmem>>, vector<16xi32>,
    tpu.vector_store %arg19[%swap3A_47], %get3A_46 {strides = array<i32>} : memref<64xi32, #tpu.memory_space<vmem>>, vector<16xi32>,
    %get3A_49 = arith.constant 32 : index
    %get3A_50 = tpu.vector_load %arg16[%get3A_49] {strides = array<i32>} : memref<64xi32, #tpu.memory_space<vmem>>, vector<16xi32>,
    %swap3A_51 = arith.constant 32 : index
    %swap3A_52 = tpu.vector_load %arg19[%swap3A_51] {strides = array<i32>} : memref<64xi32, #tpu.memory_space<vmem>>, vector<16xi32>,
    tpu.vector_store %arg19[%swap3A_51], %get3A_50 {strides = array<i32>} : memref<64xi32, #tpu.memory_space<vmem>>, vector<16xi32>,
    %get3A_53 = arith.constant 48 : index
    %get3A_54 = tpu.vector_load %arg16[%get3A_53] {strides = array<i32>} : memref<64xi32, #tpu.memory_space<vmem>>, vector<16xi32>,
    %swap3A_55 = arith.constant 48 : index
    %swap3A_56 = tpu.vector_load %arg19[%swap3A_55] {strides = array<i32>} : memref<64xi32, #tpu.memory_space<vmem>>, vector<16xi32>,
    tpu.vector_store %arg19[%swap3A_55], %get3A_54 {strides = array<i32>} : memref<64xi32, #tpu.memory_space<vmem>>, vector<16xi32>,
    %dma_start3A_57 = arith.constant 0 : i32
    %dma_start3A_58 = arith.constant 0 : i32
    %dma_start3A_59 = tpu.memref_slice %arg2[%dma_start3A_57, %dma_start3A_58] : memref<10000x128xf32, #tpu.memory_space<hbm>> -> memref<10000x128xf32, #tpu.memory_space<hbm>>
    tpu.enqueue_indirect_dma source(%dma_start3A_59 : memref<10000x128xf32, #tpu.memory_space<hbm>>) target(%arg22 : memref<64x128xf32, #tpu.memory_space<vmem>>) offsets(%arg13 : memref<64xi32, #tpu.memory_space<vmem>>) semaphore(%arg26 : memref<!tpu.dma_semaphore, #tpu.memory_space<semaphore_mem>>)
    %dma_wait3A_60 = arith.constant 1 : i32
    %dma_wait3A_61 = arith.constant 0 : i32
    %dma_wait3A_62 = tpu.memref_slice %arg5[%add3A, %dma_wait3A_60, %dma_wait3A_61] : memref<32x160x64xi32, #tpu.memory_space<hbm>> -> memref<1x1x64xi32, #tpu.memory_space<hbm>>
    %dma_wait3A_63 = tpu.memref_squeeze %dma_wait3A_62 : memref<1x1x64xi32, #tpu.memory_space<hbm>> -> memref<64xi32, #tpu.memory_space<hbm>>
    %dma_wait3A_64 = arith.constant 0 : i32
    %dma_wait3A_65 = tpu.memref_slice %arg5[%add3A, %dma_wait3A_60, %dma_wait3A_64] : memref<32x160x64xi32, #tpu.memory_space<hbm>> -> memref<1x1x64xi32, #tpu.memory_space<hbm>>
    %dma_wait3A_66 = tpu.memref_squeeze %dma_wait3A_65 : memref<1x1x64xi32, #tpu.memory_space<hbm>> -> memref<64xi32, #tpu.memory_space<hbm>>
    tpu.wait_dma2 semaphore(%arg33 : memref<!tpu.dma_semaphore, #tpu.memory_space<semaphore_mem>>) src(%dma_wait3A_66 : memref<64xi32, #tpu.memory_space<hbm>>) dst(%arg14 : memref<64xi32, #tpu.memory_space<vmem>>)
    %dma_wait3A_67 = arith.constant 1 : i32
    %dma_wait3A_68 = arith.constant 0 : i32
    %dma_wait3A_69 = tpu.memref_slice %arg4[%add3A, %dma_wait3A_67, %dma_wait3A_68] : memref<32x160x64xi32, #tpu.memory_space<hbm>> -> memref<1x1x64xi32, #tpu.memory_space<hbm>>
    %dma_wait3A_70 = tpu.memref_squeeze %dma_wait3A_69 : memref<1x1x64xi32, #tpu.memory_space<hbm>> -> memref<64xi32, #tpu.memory_space<hbm>>
    %dma_wait3A_71 = arith.constant 0 : i32
    %dma_wait3A_72 = tpu.memref_slice %arg4[%add3A, %dma_wait3A_67, %dma_wait3A_71] : memref<32x160x64xi32, #tpu.memory_space<hbm>> -> memref<1x1x64xi32, #tpu.memory_space<hbm>>
    %dma_wait3A_73 = tpu.memref_squeeze %dma_wait3A_72 : memref<1x1x64xi32, #tpu.memory_space<hbm>> -> memref<64xi32, #tpu.memory_space<hbm>>
    tpu.wait_dma2 semaphore(%arg33 : memref<!tpu.dma_semaphore, #tpu.memory_space<semaphore_mem>>) src(%dma_wait3A_73 : memref<64xi32, #tpu.memory_space<hbm>>) dst(%arg17 : memref<64xi32, #tpu.memory_space<vmem>>)
    %get3A_74 = arith.constant 0 : index
    %get3A_75 = tpu.vector_load %arg17[%get3A_74] {strides = array<i32>} : memref<64xi32, #tpu.memory_space<vmem>>, vector<16xi32>,
    %swap3A_76 = arith.constant 0 : index
    %swap3A_77 = tpu.vector_load %arg20[%swap3A_76] {strides = array<i32>} : memref<64xi32, #tpu.memory_space<vmem>>, vector<16xi32>,
    tpu.vector_store %arg20[%swap3A_76], %get3A_75 {strides = array<i32>} : memref<64xi32, #tpu.memory_space<vmem>>, vector<16xi32>,
    %get3A_78 = arith.constant 16 : index
    %get3A_79 = tpu.vector_load %arg17[%get3A_78] {strides = array<i32>} : memref<64xi32, #tpu.memory_space<vmem>>, vector<16xi32>,
    %swap3A_80 = arith.constant 16 : index
    %swap3A_81 = tpu.vector_load %arg20[%swap3A_80] {strides = array<i32>} : memref<64xi32, #tpu.memory_space<vmem>>, vector<16xi32>,
    tpu.vector_store %arg20[%swap3A_80], %get3A_79 {strides = array<i32>} : memref<64xi32, #tpu.memory_space<vmem>>, vector<16xi32>,
    %get3A_82 = arith.constant 32 : index
    %get3A_83 = tpu.vector_load %arg17[%get3A_82] {strides = array<i32>} : memref<64xi32, #tpu.memory_space<vmem>>, vector<16xi32>,
    %swap3A_84 = arith.constant 32 : index
    %swap3A_85 = tpu.vector_load %arg20[%swap3A_84] {strides = array<i32>} : memref<64xi32, #tpu.memory_space<vmem>>, vector<16xi32>,
    tpu.vector_store %arg20[%swap3A_84], %get3A_83 {strides = array<i32>} : memref<64xi32, #tpu.memory_space<vmem>>, vector<16xi32>,
    %get3A_86 = arith.constant 48 : index
    %get3A_87 = tpu.vector_load %arg17[%get3A_86] {strides = array<i32>} : memref<64xi32, #tpu.memory_space<vmem>>, vector<16xi32>,
    %swap3A_88 = arith.constant 48 : index
    %swap3A_89 = tpu.vector_load %arg20[%swap3A_88] {strides = array<i32>} : memref<64xi32, #tpu.memory_space<vmem>>, vector<16xi32>,
    tpu.vector_store %arg20[%swap3A_88], %get3A_87 {strides = array<i32>} : memref<64xi32, #tpu.memory_space<vmem>>, vector<16xi32>,
    %dma_start3A_90 = arith.constant 0 : i32
    %dma_start3A_91 = arith.constant 0 : i32
    %dma_start3A_92 = tpu.memref_slice %arg2[%dma_start3A_90, %dma_start3A_91] : memref<10000x128xf32, #tpu.memory_space<hbm>> -> memref<10000x128xf32, #tpu.memory_space<hbm>>
    tpu.enqueue_indirect_dma source(%dma_start3A_92 : memref<10000x128xf32, #tpu.memory_space<hbm>>) target(%arg23 : memref<64x128xf32, #tpu.memory_space<vmem>>) offsets(%arg14 : memref<64xi32, #tpu.memory_space<vmem>>) semaphore(%arg27 : memref<!tpu.dma_semaphore, #tpu.memory_space<semaphore_mem>>)
    %dma_start3A_93 = arith.constant 2 : i32
    %dma_start3A_94 = arith.constant 0 : i32
    %dma_start3A_95 = tpu.memref_slice %arg5[%add3A, %dma_start3A_93, %dma_start3A_94] : memref<32x160x64xi32, #tpu.memory_space<hbm>> -> memref<1x1x64xi32, #tpu.memory_space<hbm>>
    %dma_start3A_96 = tpu.memref_squeeze %dma_start3A_95 : memref<1x1x64xi32, #tpu.memory_space<hbm>> -> memref<64xi32, #tpu.memory_space<hbm>>
    %dma_start3A_97 = arith.constant 0 : i32
    %dma_start3A_98 = tpu.memref_slice %arg5[%add3A, %dma_start3A_93, %dma_start3A_97] : memref<32x160x64xi32, #tpu.memory_space<hbm>> -> memref<1x1x64xi32, #tpu.memory_space<hbm>>
    %dma_start3A_99 = tpu.memref_squeeze %dma_start3A_98 : memref<1x1x64xi32, #tpu.memory_space<hbm>> -> memref<64xi32, #tpu.memory_space<hbm>>
    tpu.enqueue_dma source(%dma_start3A_99 : memref<64xi32, #tpu.memory_space<hbm>>) target(%arg15 : memref<64xi32, #tpu.memory_space<vmem>>) target_semaphore(%arg34 : memref<!tpu.dma_semaphore, #tpu.memory_space<semaphore_mem>>)
    %dma_start3A_100 = arith.constant 2 : i32
    %dma_start3A_101 = arith.constant 0 : i32
    %dma_start3A_102 = tpu.memref_slice %arg4[%add3A, %dma_start3A_100, %dma_start3A_101] : memref<32x160x64xi32, #tpu.memory_space<hbm>> -> memref<1x1x64xi32, #tpu.memory_space<hbm>>
    %dma_start3A_103 = tpu.memref_squeeze %dma_start3A_102 : memref<1x1x64xi32, #tpu.memory_space<hbm>> -> memref<64xi32, #tpu.memory_space<hbm>>
    %dma_start3A_104 = arith.constant 0 : i32
    %dma_start3A_105 = tpu.memref_slice %arg4[%add3A, %dma_start3A_100, %dma_start3A_104] : memref<32x160x64xi32, #tpu.memory_space<hbm>> -> memref<1x1x64xi32, #tpu.memory_space<hbm>>
    %dma_start3A_106 = tpu.memref_squeeze %dma_start3A_105 : memref<1x1x64xi32, #tpu.memory_space<hbm>> -> memref<64xi32, #tpu.memory_space<hbm>>
    tpu.enqueue_dma source(%dma_start3A_106 : memref<64xi32, #tpu.memory_space<hbm>>) target(%arg18 : memref<64xi32, #tpu.memory_space<vmem>>) target_semaphore(%arg34 : memref<!tpu.dma_semaphore, #tpu.memory_space<semaphore_mem>>)
    %scan3A = arith.constant 0 : i32
    %scan3A_107 = arith.constant 0 : i32
    %scan3A_108 = arith.constant 53 : i32
    %scan3A_109 = arith.addi %scan3A_107, %scan3A_108 : i32
    %scan3A_110 = arith.constant 1 : i32
    scf.for %scan3A_151 = %scan3A_107 to %scan3A_109 step %scan3A_110  : i32 {
      %mul3A_152 = arith.constant 3 : i32
      %mul3A_153 = arith.muli %mul3A_152, %scan3A_151 : i32
      %add3A_154 = arith.constant 0 : i32
      %add3A_155 = arith.addi %mul3A_153, %add3A_154 : i32
      %dma_wait3A_156 = arith.constant 0 : i32
      %dma_wait3A_157 = arith.constant 0 : i32
      %dma_wait3A_158 = tpu.memref_slice %arg2[%dma_wait3A_156, %dma_wait3A_157] : memref<10000x128xf32, #tpu.memory_space<hbm>> -> memref<10000x128xf32, #tpu.memory_space<hbm>>
      tpu.wait_indirect_dma semaphore(%arg26 : memref<!tpu.dma_semaphore, #tpu.memory_space<semaphore_mem>>) src(%dma_wait3A_158 : memref<10000x128xf32, #tpu.memory_space<hbm>>) dst(%arg22 : memref<64x128xf32, #tpu.memory_space<vmem>>)
      %dma_start3A_159 = arith.constant 0 : i32
      %dma_start3A_160 = arith.constant 0 : i32
      %dma_start3A_161 = tpu.memref_slice %arg25[%dma_start3A_159, %dma_start3A_160] : memref<10240x128xf32, #tpu.memory_space<vmem_shared>> -> memref<10240x128xf32, #tpu.memory_space<vmem_shared>>
      tpu.enqueue_indirect_dma source(%arg22 : memref<64x128xf32, #tpu.memory_space<vmem>>) target(%dma_start3A_161 : memref<10240x128xf32, #tpu.memory_space<vmem_shared>>) offsets(%arg19 : memref<64xi32, #tpu.memory_space<vmem>>) semaphore(%arg29 : memref<!tpu.dma_semaphore, #tpu.memory_space<semaphore_mem>>) {add = true}
      %get3A_162 = arith.constant 0 : index
      %get3A_163 = tpu.vector_load %arg13[%get3A_162] {strides = array<i32>} : memref<64xi32, #tpu.memory_space<vmem>>, vector<16xi32>,
      %get3A_164 = arith.constant 0 : index
      %get3A_165 = tpu.vector_load %arg16[%get3A_164] {strides = array<i32>} : memref<64xi32, #tpu.memory_space<vmem>>, vector<16xi32>,
      %gather3A_166 = tpu.vector_load_idx %arg11[%get3A_163] : memref<10000xf32, #tpu.memory_space<vmem>>[vector<16xi32>], vector<16xf32>,
      tpu.vector_store_idx %arg12[%get3A_165], %gather3A_166 {add = true} : memref<10240xf32, #tpu.memory_space<vmem>>[vector<16xi32>], vector<16xf32>,
      %get3A_167 = arith.constant 16 : index
      %get3A_168 = tpu.vector_load %arg13[%get3A_167] {strides = array<i32>} : memref<64xi32, #tpu.memory_space<vmem>>, vector<16xi32>,
      %get3A_169 = arith.constant 16 : index
      %get3A_170 = tpu.vector_load %arg16[%get3A_169] {strides = array<i32>} : memref<64xi32, #tpu.memory_space<vmem>>, vector<16xi32>,
      %gather3A_171 = tpu.vector_load_idx %arg11[%get3A_168] : memref<10000xf32, #tpu.memory_space<vmem>>[vector<16xi32>], vector<16xf32>,
      tpu.vector_store_idx %arg12[%get3A_170], %gather3A_171 {add = true} : memref<10240xf32, #tpu.memory_space<vmem>>[vector<16xi32>], vector<16xf32>,
      %get3A_172 = arith.constant 32 : index
      %get3A_173 = tpu.vector_load %arg13[%get3A_172] {strides = array<i32>} : memref<64xi32, #tpu.memory_space<vmem>>, vector<16xi32>,
      %get3A_174 = arith.constant 32 : index
      %get3A_175 = tpu.vector_load %arg16[%get3A_174] {strides = array<i32>} : memref<64xi32, #tpu.memory_space<vmem>>, vector<16xi32>,
      %gather3A_176 = tpu.vector_load_idx %arg11[%get3A_173] : memref<10000xf32, #tpu.memory_space<vmem>>[vector<16xi32>], vector<16xf32>,
      tpu.vector_store_idx %arg12[%get3A_175], %gather3A_176 {add = true} : memref<10240xf32, #tpu.memory_space<vmem>>[vector<16xi32>], vector<16xf32>,
      %get3A_177 = arith.constant 48 : index
      %get3A_178 = tpu.vector_load %arg13[%get3A_177] {strides = array<i32>} : memref<64xi32, #tpu.memory_space<vmem>>, vector<16xi32>,
      %get3A_179 = arith.constant 48 : index
      %get3A_180 = tpu.vector_load %arg16[%get3A_179] {strides = array<i32>} : memref<64xi32, #tpu.memory_space<vmem>>, vector<16xi32>,
      %gather3A_181 = tpu.vector_load_idx %arg11[%get3A_178] : memref<10000xf32, #tpu.memory_space<vmem>>[vector<16xi32>], vector<16xf32>,
      tpu.vector_store_idx %arg12[%get3A_180], %gather3A_181 {add = true} : memref<10240xf32, #tpu.memory_space<vmem>>[vector<16xi32>], vector<16xf32>,
      %gt3A = arith.constant 0 : i32
      %gt3A_182 = arith.cmpi sgt, %scan3A_151, %gt3A : i32
      %convert_element_type3A_183 = arith.extui %gt3A_182 : i1 to i32
      %cond3A_184 = arith.constant 0 : i32
      %cond3A_185 = arith.cmpi ne, %convert_element_type3A_183, %cond3A_184 : i32
      scf.if %cond3A_185 {
        %dma_wait3A_337 = arith.constant 0 : i32
        %dma_wait3A_338 = arith.constant 0 : i32
        %dma_wait3A_339 = tpu.memref_slice %arg25[%dma_wait3A_337, %dma_wait3A_338] : memref<10240x128xf32, #tpu.memory_space<vmem_shared>> -> memref<10240x128xf32, #tpu.memory_space<vmem_shared>>
        tpu.wait_indirect_dma semaphore(%arg31 : memref<!tpu.dma_semaphore, #tpu.memory_space<semaphore_mem>>) src(%arg24 : memref<64x128xf32, #tpu.memory_space<vmem>>) dst(%dma_wait3A_339 : memref<10240x128xf32, #tpu.memory_space<vmem_shared>>)
      } else {
      }
      %add3A_186 = arith.constant 2 : i32
      %add3A_187 = arith.addi %add3A_155, %add3A_186 : i32
      %dma_wait3A_188 = arith.constant 0 : i32
      %dma_wait3A_189 = tpu.memref_slice %arg5[%add3A, %add3A_187, %dma_wait3A_188] : memref<32x160x64xi32, #tpu.memory_space<hbm>> -> memref<1x1x64xi32, #tpu.memory_space<hbm>>
      %dma_wait3A_190 = tpu.memref_squeeze %dma_wait3A_189 : memref<1x1x64xi32, #tpu.memory_space<hbm>> -> memref<64xi32, #tpu.memory_space<hbm>>
      %dma_wait3A_191 = arith.constant 0 : i32
      %dma_wait3A_192 = tpu.memref_slice %arg5[%add3A, %add3A_187, %dma_wait3A_191] : memref<32x160x64xi32, #tpu.memory_space<hbm>> -> memref<1x1x64xi32, #tpu.memory_space<hbm>>
      %dma_wait3A_193 = tpu.memref_squeeze %dma_wait3A_192 : memref<1x1x64xi32, #tpu.memory_space<hbm>> -> memref<64xi32, #tpu.memory_space<hbm>>
      tpu.wait_dma2 semaphore(%arg34 : memref<!tpu.dma_semaphore, #tpu.memory_space<semaphore_mem>>) src(%dma_wait3A_193 : memref<64xi32, #tpu.memory_space<hbm>>) dst(%arg15 : memref<64xi32, #tpu.memory_space<vmem>>)
      %dma_wait3A_194 = arith.constant 0 : i32
      %dma_wait3A_195 = tpu.memref_slice %arg4[%add3A, %add3A_187, %dma_wait3A_194] : memref<32x160x64xi32, #tpu.memory_space<hbm>> -> memref<1x1x64xi32, #tpu.memory_space<hbm>>
      %dma_wait3A_196 = tpu.memref_squeeze %dma_wait3A_195 : memref<1x1x64xi32, #tpu.memory_space<hbm>> -> memref<64xi32, #tpu.memory_space<hbm>>
      %dma_wait3A_197 = arith.constant 0 : i32
      %dma_wait3A_198 = tpu.memref_slice %arg4[%add3A, %add3A_187, %dma_wait3A_197] : memref<32x160x64xi32, #tpu.memory_space<hbm>> -> memref<1x1x64xi32, #tpu.memory_space<hbm>>
      %dma_wait3A_199 = tpu.memref_squeeze %dma_wait3A_198 : memref<1x1x64xi32, #tpu.memory_space<hbm>> -> memref<64xi32, #tpu.memory_space<hbm>>
      tpu.wait_dma2 semaphore(%arg34 : memref<!tpu.dma_semaphore, #tpu.memory_space<semaphore_mem>>) src(%dma_wait3A_199 : memref<64xi32, #tpu.memory_space<hbm>>) dst(%arg18 : memref<64xi32, #tpu.memory_space<vmem>>)
      %get3A_200 = arith.constant 0 : index
      %get3A_201 = tpu.vector_load %arg18[%get3A_200] {strides = array<i32>} : memref<64xi32, #tpu.memory_space<vmem>>, vector<16xi32>,
      %swap3A_202 = arith.constant 0 : index
      %swap3A_203 = tpu.vector_load %arg21[%swap3A_202] {strides = array<i32>} : memref<64xi32, #tpu.memory_space<vmem>>, vector<16xi32>,
      tpu.vector_store %arg21[%swap3A_202], %get3A_201 {strides = array<i32>} : memref<64xi32, #tpu.memory_space<vmem>>, vector<16xi32>,
      %get3A_204 = arith.constant 16 : index
      %get3A_205 = tpu.vector_load %arg18[%get3A_204] {strides = array<i32>} : memref<64xi32, #tpu.memory_space<vmem>>, vector<16xi32>,
      %swap3A_206 = arith.constant 16 : index
      %swap3A_207 = tpu.vector_load %arg21[%swap3A_206] {strides = array<i32>} : memref<64xi32, #tpu.memory_space<vmem>>, vector<16xi32>,
      tpu.vector_store %arg21[%swap3A_206], %get3A_205 {strides = array<i32>} : memref<64xi32, #tpu.memory_space<vmem>>, vector<16xi32>,
      %get3A_208 = arith.constant 32 : index
      %get3A_209 = tpu.vector_load %arg18[%get3A_208] {strides = array<i32>} : memref<64xi32, #tpu.memory_space<vmem>>, vector<16xi32>,
      %swap3A_210 = arith.constant 32 : index
      %swap3A_211 = tpu.vector_load %arg21[%swap3A_210] {strides = array<i32>} : memref<64xi32, #tpu.memory_space<vmem>>, vector<16xi32>,
      tpu.vector_store %arg21[%swap3A_210], %get3A_209 {strides = array<i32>} : memref<64xi32, #tpu.memory_space<vmem>>, vector<16xi32>,
      %get3A_212 = arith.constant 48 : index
      %get3A_213 = tpu.vector_load %arg18[%get3A_212] {strides = array<i32>} : memref<64xi32, #tpu.memory_space<vmem>>, vector<16xi32>,
      %swap3A_214 = arith.constant 48 : index
      %swap3A_215 = tpu.vector_load %arg21[%swap3A_214] {strides = array<i32>} : memref<64xi32, #tpu.memory_space<vmem>>, vector<16xi32>,
      tpu.vector_store %arg21[%swap3A_214], %get3A_213 {strides = array<i32>} : memref<64xi32, #tpu.memory_space<vmem>>, vector<16xi32>,
      %add3A_216 = arith.constant 3 : i32
      %add3A_217 = arith.addi %add3A_155, %add3A_216 : i32
      %dma_start3A_218 = arith.constant 0 : i32
      %dma_start3A_219 = tpu.memref_slice %arg5[%add3A, %add3A_217, %dma_start3A_218] : memref<32x160x64xi32, #tpu.memory_space<hbm>> -> memref<1x1x64xi32, #tpu.memory_space<hbm>>
      %dma_start3A_220 = tpu.memref_squeeze %dma_start3A_219 : memref<1x1x64xi32, #tpu.memory_space<hbm>> -> memref<64xi32, #tpu.memory_space<hbm>>
      %dma_start3A_221 = arith.constant 0 : i32
      %dma_start3A_222 = tpu.memref_slice %arg5[%add3A, %add3A_217, %dma_start3A_221] : memref<32x160x64xi32, #tpu.memory_space<hbm>> -> memref<1x1x64xi32, #tpu.memory_space<hbm>>
      %dma_start3A_223 = tpu.memref_squeeze %dma_start3A_222 : memref<1x1x64xi32, #tpu.memory_space<hbm>> -> memref<64xi32, #tpu.memory_space<hbm>>
      tpu.enqueue_dma source(%dma_start3A_223 : memref<64xi32, #tpu.memory_space<hbm>>) target(%arg13 : memref<64xi32, #tpu.memory_space<vmem>>) target_semaphore(%arg32 : memref<!tpu.dma_semaphore, #tpu.memory_space<semaphore_mem>>)
      %dma_start3A_224 = arith.constant 0 : i32
      %dma_start3A_225 = tpu.memref_slice %arg4[%add3A, %add3A_217, %dma_start3A_224] : memref<32x160x64xi32, #tpu.memory_space<hbm>> -> memref<1x1x64xi32, #tpu.memory_space<hbm>>
      %dma_start3A_226 = tpu.memref_squeeze %dma_start3A_225 : memref<1x1x64xi32, #tpu.memory_space<hbm>> -> memref<64xi32, #tpu.memory_space<hbm>>
      %dma_start3A_227 = arith.constant 0 : i32
      %dma_start3A_228 = tpu.memref_slice %arg4[%add3A, %add3A_217, %dma_start3A_227] : memref<32x160x64xi32, #tpu.memory_space<hbm>> -> memref<1x1x64xi32, #tpu.memory_space<hbm>>
      %dma_start3A_229 = tpu.memref_squeeze %dma_start3A_228 : memref<1x1x64xi32, #tpu.memory_space<hbm>> -> memref<64xi32, #tpu.memory_space<hbm>>
      tpu.enqueue_dma source(%dma_start3A_229 : memref<64xi32, #tpu.memory_space<hbm>>) target(%arg16 : memref<64xi32, #tpu.memory_space<vmem>>) target_semaphore(%arg32 : memref<!tpu.dma_semaphore, #tpu.memory_space<semaphore_mem>>)
      %dma_start3A_230 = arith.constant 0 : i32
      %dma_start3A_231 = arith.constant 0 : i32
      %dma_start3A_232 = tpu.memref_slice %arg2[%dma_start3A_230, %dma_start3A_231] : memref<10000x128xf32, #tpu.memory_space<hbm>> -> memref<10000x128xf32, #tpu.memory_space<hbm>>
      tpu.enqueue_indirect_dma source(%dma_start3A_232 : memref<10000x128xf32, #tpu.memory_space<hbm>>) target(%arg24 : memref<64x128xf32, #tpu.memory_space<vmem>>) offsets(%arg15 : memref<64xi32, #tpu.memory_space<vmem>>) semaphore(%arg28 : memref<!tpu.dma_semaphore, #tpu.memory_space<semaphore_mem>>)
      %add3A_233 = arith.constant 1 : i32
      %add3A_234 = arith.addi %mul3A_153, %add3A_233 : i32
      %dma_wait3A_235 = arith.constant 0 : i32
      %dma_wait3A_236 = arith.constant 0 : i32
      %dma_wait3A_237 = tpu.memref_slice %arg2[%dma_wait3A_235, %dma_wait3A_236] : memref<10000x128xf32, #tpu.memory_space<hbm>> -> memref<10000x128xf32, #tpu.memory_space<hbm>>
      tpu.wait_indirect_dma semaphore(%arg27 : memref<!tpu.dma_semaphore, #tpu.memory_space<semaphore_mem>>) src(%dma_wait3A_237 : memref<10000x128xf32, #tpu.memory_space<hbm>>) dst(%arg23 : memref<64x128xf32, #tpu.memory_space<vmem>>)
      %dma_start3A_238 = arith.constant 0 : i32
      %dma_start3A_239 = arith.constant 0 : i32
      %dma_start3A_240 = tpu.memref_slice %arg25[%dma_start3A_238, %dma_start3A_239] : memref<10240x128xf32, #tpu.memory_space<vmem_shared>> -> memref<10240x128xf32, #tpu.memory_space<vmem_shared>>
      tpu.enqueue_indirect_dma source(%arg23 : memref<64x128xf32, #tpu.memory_space<vmem>>) target(%dma_start3A_240 : memref<10240x128xf32, #tpu.memory_space<vmem_shared>>) offsets(%arg20 : memref<64xi32, #tpu.memory_space<vmem>>) semaphore(%arg30 : memref<!tpu.dma_semaphore, #tpu.memory_space<semaphore_mem>>) {add = true}
      %get3A_241 = arith.constant 0 : index
      %get3A_242 = tpu.vector_load %arg14[%get3A_241] {strides = array<i32>} : memref<64xi32, #tpu.memory_space<vmem>>, vector<16xi32>,
      %get3A_243 = arith.constant 0 : index
      %get3A_244 = tpu.vector_load %arg17[%get3A_243] {strides = array<i32>} : memref<64xi32, #tpu.memory_space<vmem>>, vector<16xi32>,
      %gather3A_245 = tpu.vector_load_idx %arg11[%get3A_242] : memref<10000xf32, #tpu.memory_space<vmem>>[vector<16xi32>], vector<16xf32>,
      tpu.vector_store_idx %arg12[%get3A_244], %gather3A_245 {add = true} : memref<10240xf32, #tpu.memory_space<vmem>>[vector<16xi32>], vector<16xf32>,
      %get3A_246 = arith.constant 16 : index
      %get3A_247 = tpu.vector_load %arg14[%get3A_246] {strides = array<i32>} : memref<64xi32, #tpu.memory_space<vmem>>, vector<16xi32>,
      %get3A_248 = arith.constant 16 : index
      %get3A_249 = tpu.vector_load %arg17[%get3A_248] {strides = array<i32>} : memref<64xi32, #tpu.memory_space<vmem>>, vector<16xi32>,
      %gather3A_250 = tpu.vector_load_idx %arg11[%get3A_247] : memref<10000xf32, #tpu.memory_space<vmem>>[vector<16xi32>], vector<16xf32>,
      tpu.vector_store_idx %arg12[%get3A_249], %gather3A_250 {add = true} : memref<10240xf32, #tpu.memory_space<vmem>>[vector<16xi32>], vector<16xf32>,
      %get3A_251 = arith.constant 32 : index
      %get3A_252 = tpu.vector_load %arg14[%get3A_251] {strides = array<i32>} : memref<64xi32, #tpu.memory_space<vmem>>, vector<16xi32>,
      %get3A_253 = arith.constant 32 : index
      %get3A_254 = tpu.vector_load %arg17[%get3A_253] {strides = array<i32>} : memref<64xi32, #tpu.memory_space<vmem>>, vector<16xi32>,
      %gather3A_255 = tpu.vector_load_idx %arg11[%get3A_252] : memref<10000xf32, #tpu.memory_space<vmem>>[vector<16xi32>], vector<16xf32>,
      tpu.vector_store_idx %arg12[%get3A_254], %gather3A_255 {add = true} : memref<10240xf32, #tpu.memory_space<vmem>>[vector<16xi32>], vector<16xf32>,
      %get3A_256 = arith.constant 48 : index
      %get3A_257 = tpu.vector_load %arg14[%get3A_256] {strides = array<i32>} : memref<64xi32, #tpu.memory_space<vmem>>, vector<16xi32>,
      %get3A_258 = arith.constant 48 : index
      %get3A_259 = tpu.vector_load %arg17[%get3A_258] {strides = array<i32>} : memref<64xi32, #tpu.memory_space<vmem>>, vector<16xi32>,
      %gather3A_260 = tpu.vector_load_idx %arg11[%get3A_257] : memref<10000xf32, #tpu.memory_space<vmem>>[vector<16xi32>], vector<16xf32>,
      tpu.vector_store_idx %arg12[%get3A_259], %gather3A_260 {add = true} : memref<10240xf32, #tpu.memory_space<vmem>>[vector<16xi32>], vector<16xf32>,
      %dma_wait3A_261 = arith.constant 0 : i32
      %dma_wait3A_262 = arith.constant 0 : i32
      %dma_wait3A_263 = tpu.memref_slice %arg25[%dma_wait3A_261, %dma_wait3A_262] : memref<10240x128xf32, #tpu.memory_space<vmem_shared>> -> memref<10240x128xf32, #tpu.memory_space<vmem_shared>>
      tpu.wait_indirect_dma semaphore(%arg29 : memref<!tpu.dma_semaphore, #tpu.memory_space<semaphore_mem>>) src(%arg22 : memref<64x128xf32, #tpu.memory_space<vmem>>) dst(%dma_wait3A_263 : memref<10240x128xf32, #tpu.memory_space<vmem_shared>>)
      %add3A_264 = arith.constant 2 : i32
      %add3A_265 = arith.addi %add3A_234, %add3A_264 : i32
      %dma_wait3A_266 = arith.constant 0 : i32
      %dma_wait3A_267 = tpu.memref_slice %arg5[%add3A, %add3A_265, %dma_wait3A_266] : memref<32x160x64xi32, #tpu.memory_space<hbm>> -> memref<1x1x64xi32, #tpu.memory_space<hbm>>
      %dma_wait3A_268 = tpu.memref_squeeze %dma_wait3A_267 : memref<1x1x64xi32, #tpu.memory_space<hbm>> -> memref<64xi32, #tpu.memory_space<hbm>>
      %dma_wait3A_269 = arith.constant 0 : i32
      %dma_wait3A_270 = tpu.memref_slice %arg5[%add3A, %add3A_265, %dma_wait3A_269] : memref<32x160x64xi32, #tpu.memory_space<hbm>> -> memref<1x1x64xi32, #tpu.memory_space<hbm>>
      %dma_wait3A_271 = tpu.memref_squeeze %dma_wait3A_270 : memref<1x1x64xi32, #tpu.memory_space<hbm>> -> memref<64xi32, #tpu.memory_space<hbm>>
      tpu.wait_dma2 semaphore(%arg32 : memref<!tpu.dma_semaphore, #tpu.memory_space<semaphore_mem>>) src(%dma_wait3A_271 : memref<64xi32, #tpu.memory_space<hbm>>) dst(%arg13 : memref<64xi32, #tpu.memory_space<vmem>>)
      %dma_wait3A_272 = arith.constant 0 : i32
      %dma_wait3A_273 = tpu.memref_slice %arg4[%add3A, %add3A_265, %dma_wait3A_272] : memref<32x160x64xi32, #tpu.memory_space<hbm>> -> memref<1x1x64xi32, #tpu.memory_space<hbm>>
      %dma_wait3A_274 = tpu.memref_squeeze %dma_wait3A_273 : memref<1x1x64xi32, #tpu.memory_space<hbm>> -> memref<64xi32, #tpu.memory_space<hbm>>
      %dma_wait3A_275 = arith.constant 0 : i32
      %dma_wait3A_276 = tpu.memref_slice %arg4[%add3A, %add3A_265, %dma_wait3A_275] : memref<32x160x64xi32, #tpu.memory_space<hbm>> -> memref<1x1x64xi32, #tpu.memory_space<hbm>>
      %dma_wait3A_277 = tpu.memref_squeeze %dma_wait3A_276 : memref<1x1x64xi32, #tpu.memory_space<hbm>> -> memref<64xi32, #tpu.memory_space<hbm>>
      tpu.wait_dma2 semaphore(%arg32 : memref<!tpu.dma_semaphore, #tpu.memory_space<semaphore_mem>>) src(%dma_wait3A_277 : memref<64xi32, #tpu.memory_space<hbm>>) dst(%arg16 : memref<64xi32, #tpu.memory_space<vmem>>)
      %get3A_278 = arith.constant 0 : index
      %get3A_279 = tpu.vector_load %arg16[%get3A_278] {strides = array<i32>} : memref<64xi32, #tpu.memory_space<vmem>>, vector<16xi32>,
      %swap3A_280 = arith.constant 0 : index
      %swap3A_281 = tpu.vector_load %arg19[%swap3A_280] {strides = array<i32>} : memref<64xi32, #tpu.memory_space<vmem>>, vector<16xi32>,
      tpu.vector_store %arg19[%swap3A_280], %get3A_279 {strides = array<i32>} : memref<64xi32, #tpu.memory_space<vmem>>, vector<16xi32>,
      %get3A_282 = arith.constant 16 : index
      %get3A_283 = tpu.vector_load %arg16[%get3A_282] {strides = array<i32>} : memref<64xi32, #tpu.memory_space<vmem>>, vector<16xi32>,
      %swap3A_284 = arith.constant 16 : index
      %swap3A_285 = tpu.vector_load %arg19[%swap3A_284] {strides = array<i32>} : memref<64xi32, #tpu.memory_space<vmem>>, vector<16xi32>,
      tpu.vector_store %arg19[%swap3A_284], %get3A_283 {strides = array<i32>} : memref<64xi32, #tpu.memory_space<vmem>>, vector<16xi32>,
      %get3A_286 = arith.constant 32 : index
      %get3A_287 = tpu.vector_load %arg16[%get3A_286] {strides = array<i32>} : memref<64xi32, #tpu.memory_space<vmem>>, vector<16xi32>,
      %swap3A_288 = arith.constant 32 : index
      %swap3A_289 = tpu.vector_load %arg19[%swap3A_288] {strides = array<i32>} : memref<64xi32, #tpu.memory_space<vmem>>, vector<16xi32>,
      tpu.vector_store %arg19[%swap3A_288], %get3A_287 {strides = array<i32>} : memref<64xi32, #tpu.memory_space<vmem>>, vector<16xi32>,
      %get3A_290 = arith.constant 48 : index
      %get3A_291 = tpu.vector_load %arg16[%get3A_290] {strides = array<i32>} : memref<64xi32, #tpu.memory_space<vmem>>, vector<16xi32>,
      %swap3A_292 = arith.constant 48 : index
      %swap3A_293 = tpu.vector_load %arg19[%swap3A_292] {strides = array<i32>} : memref<64xi32, #tpu.memory_space<vmem>>, vector<16xi32>,
      tpu.vector_store %arg19[%swap3A_292], %get3A_291 {strides = array<i32>} : memref<64xi32, #tpu.memory_space<vmem>>, vector<16xi32>,
      %lt3A = arith.constant 52 : i32
      %lt3A_294 = arith.cmpi slt, %scan3A_151, %lt3A : i32
      %convert_element_type3A_295 = arith.extui %lt3A_294 : i1 to i32
      %cond3A_296 = arith.constant 0 : i32
      %cond3A_297 = arith.cmpi ne, %convert_element_type3A_295, %cond3A_296 : i32
      scf.if %cond3A_297 {
        %add3A_337 = arith.constant 3 : i32
        %add3A_338 = arith.addi %add3A_234, %add3A_337 : i32
        %dma_start3A_339 = arith.constant 0 : i32
        %dma_start3A_340 = tpu.memref_slice %arg5[%add3A, %add3A_338, %dma_start3A_339] : memref<32x160x64xi32, #tpu.memory_space<hbm>> -> memref<1x1x64xi32, #tpu.memory_space<hbm>>
        %dma_start3A_341 = tpu.memref_squeeze %dma_start3A_340 : memref<1x1x64xi32, #tpu.memory_space<hbm>> -> memref<64xi32, #tpu.memory_space<hbm>>
        %dma_start3A_342 = arith.constant 0 : i32
        %dma_start3A_343 = tpu.memref_slice %arg5[%add3A, %add3A_338, %dma_start3A_342] : memref<32x160x64xi32, #tpu.memory_space<hbm>> -> memref<1x1x64xi32, #tpu.memory_space<hbm>>
        %dma_start3A_344 = tpu.memref_squeeze %dma_start3A_343 : memref<1x1x64xi32, #tpu.memory_space<hbm>> -> memref<64xi32, #tpu.memory_space<hbm>>
        tpu.enqueue_dma source(%dma_start3A_344 : memref<64xi32, #tpu.memory_space<hbm>>) target(%arg14 : memref<64xi32, #tpu.memory_space<vmem>>) target_semaphore(%arg33 : memref<!tpu.dma_semaphore, #tpu.memory_space<semaphore_mem>>)
        %dma_start3A_345 = arith.constant 0 : i32
        %dma_start3A_346 = tpu.memref_slice %arg4[%add3A, %add3A_338, %dma_start3A_345] : memref<32x160x64xi32, #tpu.memory_space<hbm>> -> memref<1x1x64xi32, #tpu.memory_space<hbm>>
        %dma_start3A_347 = tpu.memref_squeeze %dma_start3A_346 : memref<1x1x64xi32, #tpu.memory_space<hbm>> -> memref<64xi32, #tpu.memory_space<hbm>>
        %dma_start3A_348 = arith.constant 0 : i32
        %dma_start3A_349 = tpu.memref_slice %arg4[%add3A, %add3A_338, %dma_start3A_348] : memref<32x160x64xi32, #tpu.memory_space<hbm>> -> memref<1x1x64xi32, #tpu.memory_space<hbm>>
        %dma_start3A_350 = tpu.memref_squeeze %dma_start3A_349 : memref<1x1x64xi32, #tpu.memory_space<hbm>> -> memref<64xi32, #tpu.memory_space<hbm>>
        tpu.enqueue_dma source(%dma_start3A_350 : memref<64xi32, #tpu.memory_space<hbm>>) target(%arg17 : memref<64xi32, #tpu.memory_space<vmem>>) target_semaphore(%arg33 : memref<!tpu.dma_semaphore, #tpu.memory_space<semaphore_mem>>)
      } else {
      }
      %dma_start3A_298 = arith.constant 0 : i32
      %dma_start3A_299 = arith.constant 0 : i32
      %dma_start3A_300 = tpu.memref_slice %arg2[%dma_start3A_298, %dma_start3A_299] : memref<10000x128xf32, #tpu.memory_space<hbm>> -> memref<10000x128xf32, #tpu.memory_space<hbm>>
      tpu.enqueue_indirect_dma source(%dma_start3A_300 : memref<10000x128xf32, #tpu.memory_space<hbm>>) target(%arg22 : memref<64x128xf32, #tpu.memory_space<vmem>>) offsets(%arg13 : memref<64xi32, #tpu.memory_space<vmem>>) semaphore(%arg26 : memref<!tpu.dma_semaphore, #tpu.memory_space<semaphore_mem>>)
      %add3A_301 = arith.constant 2 : i32
      %add3A_302 = arith.addi %mul3A_153, %add3A_301 : i32
      %dma_wait3A_303 = arith.constant 0 : i32
      %dma_wait3A_304 = arith.constant 0 : i32
      %dma_wait3A_305 = tpu.memref_slice %arg2[%dma_wait3A_303, %dma_wait3A_304] : memref<10000x128xf32, #tpu.memory_space<hbm>> -> memref<10000x128xf32, #tpu.memory_space<hbm>>
      tpu.wait_indirect_dma semaphore(%arg28 : memref<!tpu.dma_semaphore, #tpu.memory_space<semaphore_mem>>) src(%dma_wait3A_305 : memref<10000x128xf32, #tpu.memory_space<hbm>>) dst(%arg24 : memref<64x128xf32, #tpu.memory_space<vmem>>)
      %dma_start3A_306 = arith.constant 0 : i32
      %dma_start3A_307 = arith.constant 0 : i32
      %dma_start3A_308 = tpu.memref_slice %arg25[%dma_start3A_306, %dma_start3A_307] : memref<10240x128xf32, #tpu.memory_space<vmem_shared>> -> memref<10240x128xf32, #tpu.memory_space<vmem_shared>>
      tpu.enqueue_indirect_dma source(%arg24 : memref<64x128xf32, #tpu.memory_space<vmem>>) target(%dma_start3A_308 : memref<10240x128xf32, #tpu.memory_space<vmem_shared>>) offsets(%arg21 : memref<64xi32, #tpu.memory_space<vmem>>) semaphore(%arg31 : memref<!tpu.dma_semaphore, #tpu.memory_space<semaphore_mem>>) {add = true}
      %get3A_309 = arith.constant 0 : index
      %get3A_310 = tpu.vector_load %arg15[%get3A_309] {strides = array<i32>} : memref<64xi32, #tpu.memory_space<vmem>>, vector<16xi32>,
      %get3A_311 = arith.constant 0 : index
      %get3A_312 = tpu.vector_load %arg18[%get3A_311] {strides = array<i32>} : memref<64xi32, #tpu.memory_space<vmem>>, vector<16xi32>,
      %gather3A_313 = tpu.vector_load_idx %arg11[%get3A_310] : memref<10000xf32, #tpu.memory_space<vmem>>[vector<16xi32>], vector<16xf32>,
      tpu.vector_store_idx %arg12[%get3A_312], %gather3A_313 {add = true} : memref<10240xf32, #tpu.memory_space<vmem>>[vector<16xi32>], vector<16xf32>,
      %get3A_314 = arith.constant 16 : index
      %get3A_315 = tpu.vector_load %arg15[%get3A_314] {strides = array<i32>} : memref<64xi32, #tpu.memory_space<vmem>>, vector<16xi32>,
      %get3A_316 = arith.constant 16 : index
      %get3A_317 = tpu.vector_load %arg18[%get3A_316] {strides = array<i32>} : memref<64xi32, #tpu.memory_space<vmem>>, vector<16xi32>,
      %gather3A_318 = tpu.vector_load_idx %arg11[%get3A_315] : memref<10000xf32, #tpu.memory_space<vmem>>[vector<16xi32>], vector<16xf32>,
      tpu.vector_store_idx %arg12[%get3A_317], %gather3A_318 {add = true} : memref<10240xf32, #tpu.memory_space<vmem>>[vector<16xi32>], vector<16xf32>,
      %get3A_319 = arith.constant 32 : index
      %get3A_320 = tpu.vector_load %arg15[%get3A_319] {strides = array<i32>} : memref<64xi32, #tpu.memory_space<vmem>>, vector<16xi32>,
      %get3A_321 = arith.constant 32 : index
      %get3A_322 = tpu.vector_load %arg18[%get3A_321] {strides = array<i32>} : memref<64xi32, #tpu.memory_space<vmem>>, vector<16xi32>,
      %gather3A_323 = tpu.vector_load_idx %arg11[%get3A_320] : memref<10000xf32, #tpu.memory_space<vmem>>[vector<16xi32>], vector<16xf32>,
      tpu.vector_store_idx %arg12[%get3A_322], %gather3A_323 {add = true} : memref<10240xf32, #tpu.memory_space<vmem>>[vector<16xi32>], vector<16xf32>,
      %get3A_324 = arith.constant 48 : index
      %get3A_325 = tpu.vector_load %arg15[%get3A_324] {strides = array<i32>} : memref<64xi32, #tpu.memory_space<vmem>>, vector<16xi32>,
      %get3A_326 = arith.constant 48 : index
      %get3A_327 = tpu.vector_load %arg18[%get3A_326] {strides = array<i32>} : memref<64xi32, #tpu.memory_space<vmem>>, vector<16xi32>,
      %gather3A_328 = tpu.vector_load_idx %arg11[%get3A_325] : memref<10000xf32, #tpu.memory_space<vmem>>[vector<16xi32>], vector<16xf32>,
      tpu.vector_store_idx %arg12[%get3A_327], %gather3A_328 {add = true} : memref<10240xf32, #tpu.memory_space<vmem>>[vector<16xi32>], vector<16xf32>,
      %dma_wait3A_329 = arith.constant 0 : i32
      %dma_wait3A_330 = arith.constant 0 : i32
      %dma_wait3A_331 = tpu.memref_slice %arg25[%dma_wait3A_329, %dma_wait3A_330] : memref<10240x128xf32, #tpu.memory_space<vmem_shared>> -> memref<10240x128xf32, #tpu.memory_space<vmem_shared>>
      tpu.wait_indirect_dma semaphore(%arg30 : memref<!tpu.dma_semaphore, #tpu.memory_space<semaphore_mem>>) src(%arg23 : memref<64x128xf32, #tpu.memory_space<vmem>>) dst(%dma_wait3A_331 : memref<10240x128xf32, #tpu.memory_space<vmem_shared>>)
      %lt3A_332 = arith.constant 52 : i32
      %lt3A_333 = arith.cmpi slt, %scan3A_151, %lt3A_332 : i32
      %convert_element_type3A_334 = arith.extui %lt3A_333 : i1 to i32
      %cond3A_335 = arith.constant 0 : i32
      %cond3A_336 = arith.cmpi ne, %convert_element_type3A_334, %cond3A_335 : i32
      scf.if %cond3A_336 {
        %add3A_337 = arith.constant 2 : i32
        %add3A_338 = arith.addi %add3A_302, %add3A_337 : i32
        %dma_wait3A_339 = arith.constant 0 : i32
        %dma_wait3A_340 = tpu.memref_slice %arg5[%add3A, %add3A_338, %dma_wait3A_339] : memref<32x160x64xi32, #tpu.memory_space<hbm>> -> memref<1x1x64xi32, #tpu.memory_space<hbm>>
        %dma_wait3A_341 = tpu.memref_squeeze %dma_wait3A_340 : memref<1x1x64xi32, #tpu.memory_space<hbm>> -> memref<64xi32, #tpu.memory_space<hbm>>
        %dma_wait3A_342 = arith.constant 0 : i32
        %dma_wait3A_343 = tpu.memref_slice %arg5[%add3A, %add3A_338, %dma_wait3A_342] : memref<32x160x64xi32, #tpu.memory_space<hbm>> -> memref<1x1x64xi32, #tpu.memory_space<hbm>>
        %dma_wait3A_344 = tpu.memref_squeeze %dma_wait3A_343 : memref<1x1x64xi32, #tpu.memory_space<hbm>> -> memref<64xi32, #tpu.memory_space<hbm>>
        tpu.wait_dma2 semaphore(%arg33 : memref<!tpu.dma_semaphore, #tpu.memory_space<semaphore_mem>>) src(%dma_wait3A_344 : memref<64xi32, #tpu.memory_space<hbm>>) dst(%arg14 : memref<64xi32, #tpu.memory_space<vmem>>)
        %dma_wait3A_345 = arith.constant 0 : i32
        %dma_wait3A_346 = tpu.memref_slice %arg4[%add3A, %add3A_338, %dma_wait3A_345] : memref<32x160x64xi32, #tpu.memory_space<hbm>> -> memref<1x1x64xi32, #tpu.memory_space<hbm>>
        %dma_wait3A_347 = tpu.memref_squeeze %dma_wait3A_346 : memref<1x1x64xi32, #tpu.memory_space<hbm>> -> memref<64xi32, #tpu.memory_space<hbm>>
        %dma_wait3A_348 = arith.constant 0 : i32
        %dma_wait3A_349 = tpu.memref_slice %arg4[%add3A, %add3A_338, %dma_wait3A_348] : memref<32x160x64xi32, #tpu.memory_space<hbm>> -> memref<1x1x64xi32, #tpu.memory_space<hbm>>
        %dma_wait3A_350 = tpu.memref_squeeze %dma_wait3A_349 : memref<1x1x64xi32, #tpu.memory_space<hbm>> -> memref<64xi32, #tpu.memory_space<hbm>>
        tpu.wait_dma2 semaphore(%arg33 : memref<!tpu.dma_semaphore, #tpu.memory_space<semaphore_mem>>) src(%dma_wait3A_350 : memref<64xi32, #tpu.memory_space<hbm>>) dst(%arg17 : memref<64xi32, #tpu.memory_space<vmem>>)
        %get3A_351 = arith.constant 0 : index
        %get3A_352 = tpu.vector_load %arg17[%get3A_351] {strides = array<i32>} : memref<64xi32, #tpu.memory_space<vmem>>, vector<16xi32>,
        %swap3A_353 = arith.constant 0 : index
        %swap3A_354 = tpu.vector_load %arg20[%swap3A_353] {strides = array<i32>} : memref<64xi32, #tpu.memory_space<vmem>>, vector<16xi32>,
        tpu.vector_store %arg20[%swap3A_353], %get3A_352 {strides = array<i32>} : memref<64xi32, #tpu.memory_space<vmem>>, vector<16xi32>,
        %get3A_355 = arith.constant 16 : index
        %get3A_356 = tpu.vector_load %arg17[%get3A_355] {strides = array<i32>} : memref<64xi32, #tpu.memory_space<vmem>>, vector<16xi32>,
        %swap3A_357 = arith.constant 16 : index
        %swap3A_358 = tpu.vector_load %arg20[%swap3A_357] {strides = array<i32>} : memref<64xi32, #tpu.memory_space<vmem>>, vector<16xi32>,
        tpu.vector_store %arg20[%swap3A_357], %get3A_356 {strides = array<i32>} : memref<64xi32, #tpu.memory_space<vmem>>, vector<16xi32>,
        %get3A_359 = arith.constant 32 : index
        %get3A_360 = tpu.vector_load %arg17[%get3A_359] {strides = array<i32>} : memref<64xi32, #tpu.memory_space<vmem>>, vector<16xi32>,
        %swap3A_361 = arith.constant 32 : index
        %swap3A_362 = tpu.vector_load %arg20[%swap3A_361] {strides = array<i32>} : memref<64xi32, #tpu.memory_space<vmem>>, vector<16xi32>,
        tpu.vector_store %arg20[%swap3A_361], %get3A_360 {strides = array<i32>} : memref<64xi32, #tpu.memory_space<vmem>>, vector<16xi32>,
        %get3A_363 = arith.constant 48 : index
        %get3A_364 = tpu.vector_load %arg17[%get3A_363] {strides = array<i32>} : memref<64xi32, #tpu.memory_space<vmem>>, vector<16xi32>,
        %swap3A_365 = arith.constant 48 : index
        %swap3A_366 = tpu.vector_load %arg20[%swap3A_365] {strides = array<i32>} : memref<64xi32, #tpu.memory_space<vmem>>, vector<16xi32>,
        tpu.vector_store %arg20[%swap3A_365], %get3A_364 {strides = array<i32>} : memref<64xi32, #tpu.memory_space<vmem>>, vector<16xi32>,
        %add3A_367 = arith.constant 3 : i32
        %add3A_368 = arith.addi %add3A_302, %add3A_367 : i32
        %dma_start3A_369 = arith.constant 0 : i32
        %dma_start3A_370 = tpu.memref_slice %arg5[%add3A, %add3A_368, %dma_start3A_369] : memref<32x160x64xi32, #tpu.memory_space<hbm>> -> memref<1x1x64xi32, #tpu.memory_space<hbm>>
        %dma_start3A_371 = tpu.memref_squeeze %dma_start3A_370 : memref<1x1x64xi32, #tpu.memory_space<hbm>> -> memref<64xi32, #tpu.memory_space<hbm>>
        %dma_start3A_372 = arith.constant 0 : i32
        %dma_start3A_373 = tpu.memref_slice %arg5[%add3A, %add3A_368, %dma_start3A_372] : memref<32x160x64xi32, #tpu.memory_space<hbm>> -> memref<1x1x64xi32, #tpu.memory_space<hbm>>
        %dma_start3A_374 = tpu.memref_squeeze %dma_start3A_373 : memref<1x1x64xi32, #tpu.memory_space<hbm>> -> memref<64xi32, #tpu.memory_space<hbm>>
        tpu.enqueue_dma source(%dma_start3A_374 : memref<64xi32, #tpu.memory_space<hbm>>) target(%arg15 : memref<64xi32, #tpu.memory_space<vmem>>) target_semaphore(%arg34 : memref<!tpu.dma_semaphore, #tpu.memory_space<semaphore_mem>>)
        %dma_start3A_375 = arith.constant 0 : i32
        %dma_start3A_376 = tpu.memref_slice %arg4[%add3A, %add3A_368, %dma_start3A_375] : memref<32x160x64xi32, #tpu.memory_space<hbm>> -> memref<1x1x64xi32, #tpu.memory_space<hbm>>
        %dma_start3A_377 = tpu.memref_squeeze %dma_start3A_376 : memref<1x1x64xi32, #tpu.memory_space<hbm>> -> memref<64xi32, #tpu.memory_space<hbm>>
        %dma_start3A_378 = arith.constant 0 : i32
        %dma_start3A_379 = tpu.memref_slice %arg4[%add3A, %add3A_368, %dma_start3A_378] : memref<32x160x64xi32, #tpu.memory_space<hbm>> -> memref<1x1x64xi32, #tpu.memory_space<hbm>>
        %dma_start3A_380 = tpu.memref_squeeze %dma_start3A_379 : memref<1x1x64xi32, #tpu.memory_space<hbm>> -> memref<64xi32, #tpu.memory_space<hbm>>
        tpu.enqueue_dma source(%dma_start3A_380 : memref<64xi32, #tpu.memory_space<hbm>>) target(%arg18 : memref<64xi32, #tpu.memory_space<vmem>>) target_semaphore(%arg34 : memref<!tpu.dma_semaphore, #tpu.memory_space<semaphore_mem>>)
        %dma_start3A_381 = arith.constant 0 : i32
        %dma_start3A_382 = arith.constant 0 : i32
        %dma_start3A_383 = tpu.memref_slice %arg2[%dma_start3A_381, %dma_start3A_382] : memref<10000x128xf32, #tpu.memory_space<hbm>> -> memref<10000x128xf32, #tpu.memory_space<hbm>>
        tpu.enqueue_indirect_dma source(%dma_start3A_383 : memref<10000x128xf32, #tpu.memory_space<hbm>>) target(%arg23 : memref<64x128xf32, #tpu.memory_space<vmem>>) offsets(%arg14 : memref<64xi32, #tpu.memory_space<vmem>>) semaphore(%arg27 : memref<!tpu.dma_semaphore, #tpu.memory_space<semaphore_mem>>)
      } else {
      }
    }
    %scan3A_111 = arith.constant 53 : i32
    %dma_wait3A_112 = arith.constant 0 : i32
    %dma_wait3A_113 = arith.constant 0 : i32
    %dma_wait3A_114 = tpu.memref_slice %arg2[%dma_wait3A_112, %dma_wait3A_113] : memref<10000x128xf32, #tpu.memory_space<hbm>> -> memref<10000x128xf32, #tpu.memory_space<hbm>>
    tpu.wait_indirect_dma semaphore(%arg26 : memref<!tpu.dma_semaphore, #tpu.memory_space<semaphore_mem>>) src(%dma_wait3A_114 : memref<10000x128xf32, #tpu.memory_space<hbm>>) dst(%arg22 : memref<64x128xf32, #tpu.memory_space<vmem>>)
    %dma_start3A_115 = arith.constant 0 : i32
    %dma_start3A_116 = arith.constant 0 : i32
    %dma_start3A_117 = tpu.memref_slice %arg25[%dma_start3A_115, %dma_start3A_116] : memref<10240x128xf32, #tpu.memory_space<vmem_shared>> -> memref<10240x128xf32, #tpu.memory_space<vmem_shared>>
    tpu.enqueue_indirect_dma source(%arg22 : memref<64x128xf32, #tpu.memory_space<vmem>>) target(%dma_start3A_117 : memref<10240x128xf32, #tpu.memory_space<vmem_shared>>) offsets(%arg19 : memref<64xi32, #tpu.memory_space<vmem>>) semaphore(%arg29 : memref<!tpu.dma_semaphore, #tpu.memory_space<semaphore_mem>>) {add = true}
    %get3A_118 = arith.constant 0 : index
    %get3A_119 = tpu.vector_load %arg13[%get3A_118] {strides = array<i32>} : memref<64xi32, #tpu.memory_space<vmem>>, vector<16xi32>,
    %get3A_120 = arith.constant 0 : index
    %get3A_121 = tpu.vector_load %arg16[%get3A_120] {strides = array<i32>} : memref<64xi32, #tpu.memory_space<vmem>>, vector<16xi32>,
    %gather3A = tpu.vector_load_idx %arg11[%get3A_119] : memref<10000xf32, #tpu.memory_space<vmem>>[vector<16xi32>], vector<16xf32>,
    tpu.vector_store_idx %arg12[%get3A_121], %gather3A {add = true} : memref<10240xf32, #tpu.memory_space<vmem>>[vector<16xi32>], vector<16xf32>,
    %get3A_122 = arith.constant 16 : index
    %get3A_123 = tpu.vector_load %arg13[%get3A_122] {strides = array<i32>} : memref<64xi32, #tpu.memory_space<vmem>>, vector<16xi32>,
    %get3A_124 = arith.constant 16 : index
    %get3A_125 = tpu.vector_load %arg16[%get3A_124] {strides = array<i32>} : memref<64xi32, #tpu.memory_space<vmem>>, vector<16xi32>,
    %gather3A_126 = tpu.vector_load_idx %arg11[%get3A_123] : memref<10000xf32, #tpu.memory_space<vmem>>[vector<16xi32>], vector<16xf32>,
    tpu.vector_store_idx %arg12[%get3A_125], %gather3A_126 {add = true} : memref<10240xf32, #tpu.memory_space<vmem>>[vector<16xi32>], vector<16xf32>,
    %get3A_127 = arith.constant 32 : index
    %get3A_128 = tpu.vector_load %arg13[%get3A_127] {strides = array<i32>} : memref<64xi32, #tpu.memory_space<vmem>>, vector<16xi32>,
    %get3A_129 = arith.constant 32 : index
    %get3A_130 = tpu.vector_load %arg16[%get3A_129] {strides = array<i32>} : memref<64xi32, #tpu.memory_space<vmem>>, vector<16xi32>,
    %gather3A_131 = tpu.vector_load_idx %arg11[%get3A_128] : memref<10000xf32, #tpu.memory_space<vmem>>[vector<16xi32>], vector<16xf32>,
    tpu.vector_store_idx %arg12[%get3A_130], %gather3A_131 {add = true} : memref<10240xf32, #tpu.memory_space<vmem>>[vector<16xi32>], vector<16xf32>,
    %get3A_132 = arith.constant 48 : index
    %get3A_133 = tpu.vector_load %arg13[%get3A_132] {strides = array<i32>} : memref<64xi32, #tpu.memory_space<vmem>>, vector<16xi32>,
    %get3A_134 = arith.constant 48 : index
    %get3A_135 = tpu.vector_load %arg16[%get3A_134] {strides = array<i32>} : memref<64xi32, #tpu.memory_space<vmem>>, vector<16xi32>,
    %gather3A_136 = tpu.vector_load_idx %arg11[%get3A_133] : memref<10000xf32, #tpu.memory_space<vmem>>[vector<16xi32>], vector<16xf32>,
    tpu.vector_store_idx %arg12[%get3A_135], %gather3A_136 {add = true} : memref<10240xf32, #tpu.memory_space<vmem>>[vector<16xi32>], vector<16xf32>,
    %dma_wait3A_137 = arith.constant 0 : i32
    %dma_wait3A_138 = arith.constant 0 : i32
    %dma_wait3A_139 = tpu.memref_slice %arg25[%dma_wait3A_137, %dma_wait3A_138] : memref<10240x128xf32, #tpu.memory_space<vmem_shared>> -> memref<10240x128xf32, #tpu.memory_space<vmem_shared>>
    tpu.wait_indirect_dma semaphore(%arg31 : memref<!tpu.dma_semaphore, #tpu.memory_space<semaphore_mem>>) src(%arg24 : memref<64x128xf32, #tpu.memory_space<vmem>>) dst(%dma_wait3A_139 : memref<10240x128xf32, #tpu.memory_space<vmem_shared>>)
    %dma_wait3A_140 = arith.constant 0 : i32
    %dma_wait3A_141 = arith.constant 0 : i32
    %dma_wait3A_142 = tpu.memref_slice %arg25[%dma_wait3A_140, %dma_wait3A_141] : memref<10240x128xf32, #tpu.memory_space<vmem_shared>> -> memref<10240x128xf32, #tpu.memory_space<vmem_shared>>
    tpu.wait_indirect_dma semaphore(%arg29 : memref<!tpu.dma_semaphore, #tpu.memory_space<semaphore_mem>>) src(%arg22 : memref<64x128xf32, #tpu.memory_space<vmem>>) dst(%dma_wait3A_142 : memref<10240x128xf32, #tpu.memory_space<vmem_shared>>)
    %barrier3A_143 = arith.constant 0 : index
    tpu.barrier barrier_id(%barrier3A_143)
    %eq3A = arith.constant 0 : i32
    %eq3A_144 = arith.cmpi eq, %arg0, %eq3A : i32
    %convert_element_type3A = arith.extui %eq3A_144 : i1 to i32
    %cond3A = arith.constant 0 : i32
    %cond3A_145 = arith.cmpi ne, %convert_element_type3A, %cond3A : i32
    scf.if %cond3A_145 {
      "tpu.region"() ({
        %run_scoped3A_151 = tpu.sem_alloc : memref<!tpu.dma_semaphore, #tpu.memory_space<semaphore_mem>>
        %dma_start3A_152 = arith.constant 0 : i32
        %dma_start3A_153 = tpu.memref_slice %arg8[%mul3A_2, %dma_start3A_152] : memref<10240x128xf32, #tpu.memory_space<hbm>> -> memref<640x128xf32, #tpu.memory_space<hbm>>
        %dma_start3A_154 = arith.constant 0 : i32
        %dma_start3A_155 = tpu.memref_slice %arg25[%mul3A_2, %dma_start3A_154] : memref<10240x128xf32, #tpu.memory_space<vmem_shared>> -> memref<640x128xf32, #tpu.memory_space<vmem_shared>>
        tpu.enqueue_dma source(%dma_start3A_155 : memref<640x128xf32, #tpu.memory_space<vmem_shared>>) target(%dma_start3A_153 : memref<640x128xf32, #tpu.memory_space<hbm>>) target_semaphore(%run_scoped3A_151 : memref<!tpu.dma_semaphore, #tpu.memory_space<semaphore_mem>>)
        %dma_wait3A_156 = arith.constant 0 : i32
        %dma_wait3A_157 = tpu.memref_slice %arg8[%mul3A_2, %dma_wait3A_156] : memref<10240x128xf32, #tpu.memory_space<hbm>> -> memref<640x128xf32, #tpu.memory_space<hbm>>
        %dma_wait3A_158 = arith.constant 0 : i32
        %dma_wait3A_159 = tpu.memref_slice %arg25[%mul3A_2, %dma_wait3A_158] : memref<10240x128xf32, #tpu.memory_space<vmem_shared>> -> memref<640x128xf32, #tpu.memory_space<vmem_shared>>
        tpu.wait_dma2 semaphore(%run_scoped3A_151 : memref<!tpu.dma_semaphore, #tpu.memory_space<semaphore_mem>>) src(%dma_wait3A_159 : memref<640x128xf32, #tpu.memory_space<vmem_shared>>) dst(%dma_wait3A_157 : memref<640x128xf32, #tpu.memory_space<hbm>>)
        tpu.yield
      }) : () -> ()
    } else {
    }
    %eq3A_146 = arith.constant 1 : i32
    %eq3A_147 = arith.cmpi eq, %arg0, %eq3A_146 : i32
    %convert_element_type3A_148 = arith.extui %eq3A_147 : i1 to i32
    %cond3A_149 = arith.constant 0 : i32
    %cond3A_150 = arith.cmpi ne, %convert_element_type3A_148, %cond3A_149 : i32
    scf.if %cond3A_150 {
      "tpu.region"() ({
        %run_scoped3A_151 = tpu.sem_alloc : memref<!tpu.dma_semaphore, #tpu.memory_space<semaphore_mem>>
        %dma_start3A_152 = arith.constant 0 : i32
        %dma_start3A_153 = tpu.memref_slice %arg9[%mul3A_2, %dma_start3A_152] : memref<10240x128xf32, #tpu.memory_space<hbm>> -> memref<640x128xf32, #tpu.memory_space<hbm>>
        %dma_start3A_154 = arith.constant 0 : i32
        %dma_start3A_155 = tpu.memref_slice %arg25[%mul3A_2, %dma_start3A_154] : memref<10240x128xf32, #tpu.memory_space<vmem_shared>> -> memref<640x128xf32, #tpu.memory_space<vmem_shared>>
        tpu.enqueue_dma source(%dma_start3A_155 : memref<640x128xf32, #tpu.memory_space<vmem_shared>>) target(%dma_start3A_153 : memref<640x128xf32, #tpu.memory_space<hbm>>) target_semaphore(%run_scoped3A_151 : memref<!tpu.dma_semaphore, #tpu.memory_space<semaphore_mem>>)
        %dma_wait3A_156 = arith.constant 0 : i32
        %dma_wait3A_157 = tpu.memref_slice %arg9[%mul3A_2, %dma_wait3A_156] : memref<10240x128xf32, #tpu.memory_space<hbm>> -> memref<640x128xf32, #tpu.memory_space<hbm>>
        %dma_wait3A_158 = arith.constant 0 : i32
        %dma_wait3A_159 = tpu.memref_slice %arg25[%mul3A_2, %dma_wait3A_158] : memref<10240x128xf32, #tpu.memory_space<vmem_shared>> -> memref<640x128xf32, #tpu.memory_space<vmem_shared>>
        tpu.wait_dma2 semaphore(%run_scoped3A_151 : memref<!tpu.dma_semaphore, #tpu.memory_space<semaphore_mem>>) src(%dma_wait3A_159 : memref<640x128xf32, #tpu.memory_space<vmem_shared>>) dst(%dma_wait3A_157 : memref<640x128xf32, #tpu.memory_space<hbm>>)
        tpu.yield
      }) : () -> ()
    } else {
    }
    "tpu.region"() ({
      %run_scoped3A_151 = tpu.sem_alloc : memref<!tpu.dma_semaphore, #tpu.memory_space<semaphore_mem>>
      %dma_start3A_152 = arith.constant 0 : i32
      %dma_start3A_153 = tpu.memref_slice %arg10[%add3A, %dma_start3A_152] : memref<32x10240xf32, #tpu.memory_space<hbm>> -> memref<1x10240xf32, #tpu.memory_space<hbm>>
      %dma_start3A_154 = tpu.memref_squeeze %dma_start3A_153 : memref<1x10240xf32, #tpu.memory_space<hbm>> -> memref<10240xf32, #tpu.memory_space<hbm>>
      %dma_start3A_155 = arith.constant 0 : i32
      %dma_start3A_156 = tpu.memref_slice %arg10[%add3A, %dma_start3A_155] : memref<32x10240xf32, #tpu.memory_space<hbm>> -> memref<1x10240xf32, #tpu.memory_space<hbm>>
      %dma_start3A_157 = tpu.memref_squeeze %dma_start3A_156 : memref<1x10240xf32, #tpu.memory_space<hbm>> -> memref<10240xf32, #tpu.memory_space<hbm>>
      tpu.enqueue_dma source(%arg12 : memref<10240xf32, #tpu.memory_space<vmem>>) target(%dma_start3A_157 : memref<10240xf32, #tpu.memory_space<hbm>>) target_semaphore(%run_scoped3A_151 : memref<!tpu.dma_semaphore, #tpu.memory_space<semaphore_mem>>)
      %dma_wait3A_158 = arith.constant 0 : i32
      %dma_wait3A_159 = tpu.memref_slice %arg10[%add3A, %dma_wait3A_158] : memref<32x10240xf32, #tpu.memory_space<hbm>> -> memref<1x10240xf32, #tpu.memory_space<hbm>>
      %dma_wait3A_160 = tpu.memref_squeeze %dma_wait3A_159 : memref<1x10240xf32, #tpu.memory_space<hbm>> -> memref<10240xf32, #tpu.memory_space<hbm>>
      %dma_wait3A_161 = arith.constant 0 : i32
      %dma_wait3A_162 = tpu.memref_slice %arg10[%add3A, %dma_wait3A_161] : memref<32x10240xf32, #tpu.memory_space<hbm>> -> memref<1x10240xf32, #tpu.memory_space<hbm>>
      %dma_wait3A_163 = tpu.memref_squeeze %dma_wait3A_162 : memref<1x10240xf32, #tpu.memory_space<hbm>> -> memref<10240xf32, #tpu.memory_space<hbm>>
      tpu.wait_dma2 semaphore(%run_scoped3A_151 : memref<!tpu.dma_semaphore, #tpu.memory_space<semaphore_mem>>) src(%arg12 : memref<10240xf32, #tpu.memory_space<vmem>>) dst(%dma_wait3A_163 : memref<10240xf32, #tpu.memory_space<hbm>>)
      tpu.yield
    }) : () -> ()
    return
  }
}

module attributes {stable_mosaic.version = 14 : i64} {
  func.func @_prologue_body(%arg0: memref<10000x128xf32, #tpu.memory_space<vmem>>, %arg1: memref<128x1xf32, #tpu.memory_space<vmem>>, %arg2: memref<128x1xf32, #tpu.memory_space<vmem>>, %arg3: memref<10000x128xf32, #tpu.memory_space<vmem>>, %arg4: memref<1x10000xf32, #tpu.memory_space<vmem>>) attributes {dimension_semantics = [], scalar_prefetch = 0 : i64, scratch_operands = 0 : i64, tpu.core_type = #tpu.core_type<tc>} {
    %get3A = arith.constant 0 : index
    %get3A_0 = arith.constant 0 : index
    %get3A_1 = vector.load %arg0[%get3A, %get3A_0] : memref<10000x128xf32, #tpu.memory_space<vmem>>, vector<10000x128xf32>
    %tanh3A = math.tanh %get3A_1 : vector<10000x128xf32>
    %get3A_2 = arith.constant 0 : index
    %get3A_3 = arith.constant 0 : index
    %get3A_4 = vector.load %arg1[%get3A_2, %get3A_3] : memref<128x1xf32, #tpu.memory_space<vmem>>, vector<128x1xf32>
    %get3A_5 = arith.constant 0 : index
    %get3A_6 = arith.constant 0 : index
    %get3A_7 = vector.load %arg2[%get3A_5, %get3A_6] : memref<128x1xf32, #tpu.memory_space<vmem>>, vector<128x1xf32>
    %mul3A = arith.constant 5.000000e-01 : f32
    %mul3A_8 = vector.broadcast %mul3A : f32 to vector<128x1xf32>
    %mul3A_9 = arith.mulf %mul3A_8, %get3A_7 : vector<128x1xf32>
    %sub3A = arith.subf %get3A_4, %mul3A_9 : vector<128x1xf32>
    %dot_general3A = arith.constant dense<0.000000e+00> : vector<10000x1xf32>
    %dot_general3A_10 = tpu.matmul %tanh3A, %sub3A, %dot_general3A {dimension_numbers = #tpu.dot_dimension_numbers<[1], [0], [0], [1], [0, 0, 1, 1], [], []>, transpose_lhs_hint = false} : vector<10000x128xf32>, vector<128x1xf32>, vector<10000x1xf32> -> vector<10000x1xf32>
    %exp3A = math.exp %dot_general3A_10 : vector<10000x1xf32>
    %mul3A_11 = vector.broadcast %exp3A : vector<10000x1xf32> to vector<10000x128xf32>
    %mul3A_12 = arith.mulf %tanh3A, %mul3A_11 : vector<10000x128xf32>
    %swap3A = arith.constant 0 : index
    %swap3A_13 = arith.constant 0 : index
    %swap3A_14 = vector.load %arg3[%swap3A, %swap3A_13] : memref<10000x128xf32, #tpu.memory_space<vmem>>, vector<10000x128xf32>
    tpu.vector_store %arg3[%swap3A, %swap3A_13], %mul3A_12 {strides = array<i32>} : memref<10000x128xf32, #tpu.memory_space<vmem>>, vector<10000x128xf32>,
    %transpose3A = tpu.transpose %exp3A, [1, 0] : vector<10000x1xf32> -> vector<1x10000xf32>
    %swap3A_15 = arith.constant 0 : index
    %swap3A_16 = arith.constant 0 : index
    %swap3A_17 = vector.load %arg4[%swap3A_15, %swap3A_16] : memref<1x10000xf32, #tpu.memory_space<vmem>>, vector<1x10000xf32>
    tpu.vector_store %arg4[%swap3A_15, %swap3A_16], %transpose3A {strides = array<i32>} : memref<1x10000xf32, #tpu.memory_space<vmem>>, vector<1x10000xf32>,
    return
  }
}

module attributes {stable_mosaic.version = 14 : i64} {
  func.func @_epilogue_body(%arg0: memref<10240x128xf32, #tpu.memory_space<vmem>>, %arg1: memref<10240x128xf32, #tpu.memory_space<vmem>>, %arg2: memref<32x10240xf32, #tpu.memory_space<vmem>>, %arg3: memref<10000x128xf32, #tpu.memory_space<vmem>>) attributes {dimension_semantics = [], scalar_prefetch = 0 : i64, scratch_operands = 0 : i64, tpu.core_type = #tpu.core_type<tc>} {
    %get3A = arith.constant 0 : index
    %get3A_0 = arith.constant 0 : index
    %get3A_1 = vector.load %arg0[%get3A, %get3A_0] : memref<10240x128xf32, #tpu.memory_space<vmem>>, vector<10240x128xf32>
    %get3A_2 = arith.constant 0 : index
    %get3A_3 = arith.constant 0 : index
    %get3A_4 = vector.load %arg1[%get3A_2, %get3A_3] : memref<10240x128xf32, #tpu.memory_space<vmem>>, vector<10240x128xf32>
    %add3A = arith.addf %get3A_1, %get3A_4 : vector<10240x128xf32>
    %get3A_5 = arith.constant 0 : index
    %get3A_6 = arith.constant 0 : index
    %get3A_7 = vector.load %arg2[%get3A_5, %get3A_6] : memref<32x10240xf32, #tpu.memory_space<vmem>>, vector<32x10240xf32>
    %reduce_sum3A = arith.constant dense<0.000000e+00> : vector<10240xf32>
    %reduce_sum3A_8 = vector.multi_reduction <add>, %get3A_7, %reduce_sum3A [0] : vector<32x10240xf32> to vector<10240xf32>
    %slice3A = vector.extract_strided_slice %reduce_sum3A_8 {offsets = [0], sizes = [10000], strides = [1]} : vector<10240xf32> to vector<10000xf32>
    %broadcast_in_dim3A = vector.shape_cast %slice3A : vector<10000xf32> to vector<10000x1xf32>
    %gt3A = arith.constant 0.000000e+00 : f32
    %gt3A_9 = vector.broadcast %gt3A : f32 to vector<10000x1xf32>
    %gt3A_10 = arith.cmpf ogt, %broadcast_in_dim3A, %gt3A_9 : vector<10000x1xf32>
    %slice3A_11 = vector.extract_strided_slice %add3A {offsets = [0, 0], sizes = [10000, 128], strides = [1, 1]} : vector<10240x128xf32> to vector<10000x128xf32>
    %div3A = vector.broadcast %broadcast_in_dim3A : vector<10000x1xf32> to vector<10000x128xf32>
    %div3A_12 = arith.divf %slice3A_11, %div3A : vector<10000x128xf32>
    %jit3A = arith.constant 0.000000e+00 : f32
    %broadcast_in_dim3A_13 = vector.shape_cast %gt3A_10 : vector<10000x1xi1> to vector<10000x1xi1>
    %broadcast_in_dim3A_14 = vector.broadcast %broadcast_in_dim3A_13 : vector<10000x1xi1> to vector<10000x128xi1>
    %broadcast_in_dim3A_15 = vector.broadcast %jit3A : f32 to vector<10000x128xf32>
    %select_n3A = arith.select %broadcast_in_dim3A_14, %div3A_12, %broadcast_in_dim3A_15 : vector<10000x128xi1>, vector<10000x128xf32>
    %tanh3A = math.tanh %select_n3A : vector<10000x128xf32>
    %swap3A = arith.constant 0 : index
    %swap3A_16 = arith.constant 0 : index
    %swap3A_17 = vector.load %arg3[%swap3A, %swap3A_16] : memref<10000x128xf32, #tpu.memory_space<vmem>>, vector<10000x128xf32>
    tpu.vector_store %arg3[%swap3A, %swap3A_16], %tanh3A {strides = array<i32>} : memref<10000x128xf32, #tpu.memory_space<vmem>>, vector<10000x128xf32>,
    return
  }
}

</mosaic_0001>

<sc_bundles>
// kernel: kernel.5.cloned.1.call-start
scs
__scs_entry_jumppad:
0x0: {  	(pc) =	sbr.rel $0x88, $3  }
0x1: {  	(tag) =	ssettag $0x0;
	lr =	simm.s32 $0x1  }
0x2: {  	[smem:$0x3F9D] =	sst lr;
	_ =	strace $0xD0000000  }
0x3: {  	_ = 	snop  }
0x4: {  	_ = 	snop  }
0x5: {  	_ = 	snop  }
0x6: {  	_ = 	snop  }
0x7: {  	_ = 	snop  }
__scs_overlays_trampoline_lowered:
0x8: {  	[smem:$0x3FAC] =	sst s0  }
0x9: {  	[smem:$0x3FAD] =	sst s1  }
0xa: {  	[smem:$0x3FAE] =	sst s2  }
0xb: {  	[smem:$0x3FAF] =	sst s3  }
0xc: {  	[smem:$0x3FB0] =	sst s4  }
0xd: {  	[smem:$0x3FB1] =	sst s5  }
0xe: {  	[smem:$0x3FB2] =	sst s6  }
0xf: {  	[smem:$0x3FB3] =	sst s7  }
0x10: {  	[smem:$0x3FB4] =	sst s8  }
0x11: {  	[smem:$0x3FB5] =	sst s9;
	s0 =	simm.s32 @!p0 $0x0  }
0x12: {  	s1 =	sld [smem:$0x3F9B];
	s0 =	simm.s32 @p0 $0x1  }
0x13: {  	[smem:$0x3FB6] =	sst s0;
	s0 =	simm.s32 @!p1 $0x0  }
0x14: {  	s2 =	sld [smem:$0x3F9A];
	s0 =	simm.s32 @p1 $0x1  }
0x15: {  	[smem:$0x3FB7] =	sst s0;
	s0 =	simm.s32 @!p2 $0x0  }
0x16: {  	s3 =	sld [smem:$0x3FDB];
	s0 =	simm.s32 @p2 $0x1  }
0x17: {  	s4 =	simm.s32 $0x1BF5;
	[smem:$0x3FB9] =	sst s0  }
0x18: {  	s0 =	sld [smem:$0x3F9C];
	_ =	swait.ge [sflag:s4], $0x0  }
0x19: {  	s7 =	sld [smem:$0x3F9D]  }
0x1a: {  	s8 =	sadd.s32 $0xFFFFE003, lr  }
0x1b: {  	s9 =	sadd.s32 $0xFFFFFEF7, lr;
	s5 =	simm.s32 $0xFFFFFFFF;
	p2 =	slt.u32 s8, $0xFFFFF086  }
0x1c: {  	p1 =	slt.u32 s9, $0xF7A;
	s5 =	simm.s32 @!p2 $0x0  }
0x1d: {  	s5 =	simm.s32 @p1 $0x1;
	p0 =	seq.s32 s7, s2  }
0x1e: {  	s7 =	smul.u32 @!p0 $0xF7A, s2;
	p2 =	seq.s32 @!p0 s5, $0x0  }
0x1f: {  	s9 =	smul.u32 $0xF7A, s1;
	s8 =	simm.s32 @!p0 $0x1BF5;
	p2 =	por !p2, p0  }
0x20: {  	[sflag:s8] =	ssyncset.s32 @!p0 $0xFFFFF086;
	s6 =	sadd.s32 @!p0 s3, s7;
	s7 =	simm.s32 @!p0 $0x108  }
0x21: {  	s3 =	sadd.s32 s3, s9;
	s6 =	sadd.s32 @!p0 $0x88, s6;
	s7 =	simm.s32 @p2 $0x1082  }
0x22: {  	[simem:s7], [sflag:s8] =	dma.local @!p0 [hbm:s6], $0xF7A  }
0x23: {  	s9 =	sor.u32 $0xD0000000, s2;
	s6 =	simm.s32 $0x108;
	_ =	swait.ge @!p0 [sflag:s8], $0x0  }
0x24: {  	s3 =	sadd.s32 $0x88, s3;
	s6 =	simm.s32 @!p1 $0x1082;
	[sflag:s4] =	ssyncset.s32 $0xFFFFF086  }
0x25: {  	[simem:s6], [sflag:s4] =	dma.local [hbm:s3], $0xF7A  }
0x26: {  	[smem:$0x3F9D] =	sst s1;
	(tag) =	ssettag s2;
	_ =	strace s9  }
0x27: {  	s1 =	sld [smem:$0x3FAD]  }
0x28: {  	s2 =	sld [smem:$0x3FAE]  }
0x29: {  	s4 =	sld [smem:$0x3FB0]  }
0x2a: {  	p0 =	seq.s32 s5, $0x0;
	s5 =	sld [smem:$0x3FB1]  }
0x2b: {  	s6 =	sld [smem:$0x3FB2]  }
0x2c: {  	s7 =	sld [smem:$0x3FB3]  }
0x2d: {  	s3 =	simm.s32 $0x108;
	s8 =	sld [smem:$0x3FB4]  }
0x2e: {  	s3 =	simm.s32 @!p0 $0x1082;
	s9 =	sld [smem:$0x3FB5]  }
0x2f: {  	lr =	sadd.s32 s0, s3;
	s0 =	sld [smem:$0x3FAC]  }
0x30: {  	s3 =	sld [smem:$0x3FAF]  }
0x31: {  	[smem:$0x3FB8] =	sst s10  }
0x32: {  	s10 =	sld [smem:$0x3FB6];
	_ =	sdelay $0x3  }
0x33: {  	p0 =	seq.s32 s10, $0x1;
	s10 =	sld [smem:$0x3FB8];
	_ =	sdelay $0x3  }
0x34: {  	[smem:$0x3FB8] =	sst s10  }
0x35: {  	s10 =	sld [smem:$0x3FB7];
	_ =	sdelay $0x3  }
0x36: {  	p1 =	seq.s32 s10, $0x1;
	s10 =	sld [smem:$0x3FB8];
	_ =	sdelay $0x3  }
0x37: {  	[smem:$0x3FB8] =	sst s10  }
0x38: {  	s10 =	sld [smem:$0x3FB9]  }
0x39: {  	_ = 	snop;
	(pc) =	sbr.ind lr, $3  }
0x3a: {  	_ = 	snop  }
0x3b: {  	_ = 	snop  }
0x3c: {  	p2 =	seq.s32 s10, $0x1;
	s10 =	sld [smem:$0x3FB8]  }
0x3d: {  	_ =	shalt  }
0x3e: {  	_ =	shalt  }
0x3f: {  	_ =	shalt  }
0x40: {  	_ =	shalt  }
0x41: {  	_ =	shalt  }
0x42: {  	_ =	shalt  }
0x43: {  	_ =	shalt  }
0x44: {  	_ =	shalt  }
0x45: {  	_ =	shalt  }
0x46: {  	_ =	shalt  }
0x47: {  	_ =	shalt  }
0x48: {  	_ =	shalt  }
0x49: {  	_ =	shalt  }
0x4a: {  	_ =	shalt  }
0x4b: {  	_ =	shalt  }
0x4c: {  	_ =	shalt  }
0x4d: {  	_ =	shalt  }
0x4e: {  	_ =	shalt  }
0x4f: {  	_ =	shalt  }
0x50: {  	_ =	shalt  }
0x51: {  	_ =	shalt  }
0x52: {  	_ =	shalt  }
0x53: {  	_ =	shalt  }
0x54: {  	_ =	shalt  }
0x55: {  	_ =	shalt  }
0x56: {  	_ =	shalt  }
0x57: {  	_ =	shalt  }
0x58: {  	_ =	shalt  }
0x59: {  	_ =	shalt  }
0x5a: {  	_ =	shalt  }
0x5b: {  	_ =	shalt  }
0x5c: {  	_ =	shalt  }
0x5d: {  	_ =	shalt  }
0x5e: {  	_ =	shalt  }
0x5f: {  	_ =	shalt  }
0x60: {  	_ =	shalt  }
0x61: {  	_ =	shalt  }
0x62: {  	_ =	shalt  }
0x63: {  	_ =	shalt  }
0x64: {  	_ =	shalt  }
0x65: {  	_ =	shalt  }
0x66: {  	_ =	shalt  }
0x67: {  	_ =	shalt  }
0x68: {  	_ =	shalt  }
0x69: {  	_ =	shalt  }
0x6a: {  	_ =	shalt  }
0x6b: {  	_ =	shalt  }
0x6c: {  	_ =	shalt  }
0x6d: {  	_ =	shalt  }
0x6e: {  	_ =	shalt  }
0x6f: {  	_ =	shalt  }
0x70: {  	_ =	shalt  }
0x71: {  	_ =	shalt  }
0x72: {  	_ =	shalt  }
0x73: {  	_ =	shalt  }
0x74: {  	_ =	shalt  }
0x75: {  	_ =	shalt  }
0x76: {  	_ =	shalt  }
0x77: {  	_ =	shalt  }
0x78: {  	_ =	shalt  }
0x79: {  	_ =	shalt  }
0x7a: {  	_ =	shalt  }
0x7b: {  	_ =	shalt  }
0x7c: {  	_ =	shalt  }
0x7d: {  	_ =	shalt  }
0x7e: {  	_ =	shalt  }
0x7f: {  	_ =	shalt  }
0x80: {  	_ =	shalt  }
0x81: {  	_ =	shalt  }
0x82: {  	_ =	shalt  }
0x83: {  	_ =	shalt  }
0x84: {  	_ =	shalt  }
0x85: {  	_ =	shalt  }
0x86: {  	_ =	shalt  }
0x87: {  	_ =	shalt  }
.Lfunc_end0:
.L_simem_size_0:
called_computation_lowered:
.L_overlay_start_0:
0x88: {  	s2 =	sld [smem:$0x3FD9]  }
0x89: {  	s3 =	sld [smem:$0x3FFE];
	_ =	sdelay $0x1  }
0x8a: {  	s1 =	srdreg.scid  }
0x8b: {  	s0 =	sand.u32 $0x1, s1  }
0x8c: {  	s17 =	sshll.u32 s0, $0xA;
	s2 =	sadd.s32 s3, s2  }
0x8d: {  	s2 =	sadd.s32 s2, s17  }
0x8e: {  	[smem:$0x3FC4] =	sst s2  }
0x8f: {  	_ = 	snop  }
0x90: {  	s2 =	sld [smem:$0x3FD0];
	(tm) =	ssettm $0x1  }
0x91: {  	s18 =	sld [smem:$0x3FFB];
	_ =	sdelay $0x3  }
0x92: {  	_ =	strace s18  }
0x93: {  	s3 =	sld [smem:$0x3FFC];
	_ =	sdelay $0x3  }
0x94: {  	_ =	strace s3  }
0x95: {  	s3 =	sld [smem:$0x3FFD];
	_ =	sdelay $0x3  }
0x96: {  	_ =	strace s3  }
0x97: {  	_ =	strace $0x8FFFFFFF  }
0x98: {  	s19 =	sld [smem:$0x3FDB];
	_ =	sdelay $0x1  }
0x99: {  	s4 =	simm.s32 $_scs_section_size  }
0x9a: {  	s5 =	simm.s32 $_size__tile_overlayer_lowered;
	s6 =	simm.s32 $_tile_overlayer_lowered  }
0x9b: {  	s22 =	simm.s32 $0x1BFF;
	s21 =	sshll.u32 s6, $0x1;
	s3 =	sadd.s32 s4, s19  }
0x9c: {  	s7 =	simm.s32 $0x0;
	s20 =	sshll.u32 s5, $0x1;
	s5 =	sadd.s32 s21, s3  }
0x9d: {  	[timem:s7], [sflag:s22] =	dma.local [hbm:s5], s20  }
0x9e: {  	_ =	swait.ge [sflag:s22], s20  }
0x9f: {  	s4 =	ssub.s32 $0x0, s20;
	[sflag:s22] =	ssyncset.done $0x0  }
0xa0: {  	[sflag:s22] =	ssyncadd.s32 s4;
	_ =	sdelay $0x1  }
0xa1: {  	s23 =	simm.s32 $0x1B8B  }
0xa2: {  	_ =	swait.ge [sflag:s23], $0x1  }
0xa3: {  	[sflag:s23] =	ssyncset.done $0x0  }
0xa4: {  	s25 =	simm.s32 $0x1B8E;
	s24 =	sld [smem:$0x3FFE];
	[sflag:s23] =	ssyncadd.s32 $0xFFFFFFFF  }
0xa5: {  	s26 =	simm.s32 $execute0_lowered;
	[smem:$0x3FD2] =	sst s25  }
0xa6: {  	s5 =	sshll.u32 s26, $0x1;
	_ =	strace $0x80000046;
	[dreg:$0x1] =	wrdreg $0xFFFFFFFF  }
0xa7: {  	s28 =	simm.s32 $_size_execute0_lowered;
	s3 =	sadd.s32 s3, s5;
	[dreg:$0x0] =	wrdreg $0x0  }
0xa8: {  	s5 =	sshll.u32 s28, $0x1;
	[dreg:$0x2] =	wrdreg s3  }
0xa9: {  	[dreg:$0x3] =	wrdreg s5  }
0xaa: {  	[dreg:$0x4] =	wrdreg $0xC0  }
0xab: {  	_ =	task [dreg:s7], $0x5FFFF  }
0xac: {  	[dreg:$0x1] =	wrdreg $0xFFFFFFFF  }
0xad: {  	[dreg:$0x0] =	wrdreg $0x60  }
0xae: {  	[dreg:$0x2] =	wrdreg s2  }
0xaf: {  	[dreg:$0x3] =	wrdreg s24  }
0xb0: {  	[dreg:$0x4] =	wrdreg $0xB4000  }
0xb1: {  	[dreg:$0x5] =	wrdreg $0x9  }
0xb2: {  	_ =	task.clear_ibuf [dreg:s7], $0x6FFFF;
	_ =	strace $0x90000046  }
0xb3: {  	s29 =	simm.s32 $0x9;
	_ =	strace $0x80000048  }
0xb4: {  	_ =	swait.ge [sflag:s29], $0x1  }
0xb5: {  	[sflag:s29] =	ssyncadd.s32 $0xFFFFFFFF  }
0xb6: {  	_ =	strace $0x90000048  }
0xb7: {  	_ =	sfence  }
0xb8: {  	s30 =	sld [smem:$0x0];
	_ =	sdelay $0x2  }
0xb9: {  	s31 =	sshll.u32 s1, $0xD;
	s1 =	sshrl.u32 s1, $0x2  }
0xba: {  	s3 =	sand.u32 $0x4000, s31;
	s1 =	sadd.s32 s1, s30  }
0xbb: {  	s0 =	sor.u32 s3, s0;
	s1 =	sshll.u32 s1, $0x11  }
0xbc: {  	s0 =	sor.u32 s1, s0  }
0xbd: {  	s0 =	sadd.s32 $0x8F2B, s0  }
0xbe: {  	[sflag:s0] =	ssyncadd.remote.s32 $0x1  }
0xbf: {  	_ =	sfence.sel $0xFFFF  }
0xc0: {  	[dreg:$0x0] =	wrdreg $0xFFFFFFFF;
	(pc) =	sbr.abs _section_cstart, $3  }
0xc1: {  	[dreg:$0x1] =	wrdreg $0xFFFFFFFF  }
0xc2: {  	_ =	task.clear_ibuf [dreg:s7], $0x2FFFF;
	_ =	strace $0x9FFFFFFF  }
0xc3: {  	(tm) =	ssettm $0x7FFFFFFF  }
tec
execute0_lowered:
.L_overlay_start_1:
0x0: {  	(tag) =	ssettag $0x1  }
0x1: {  	s1 =	rddreg [dreg:$0x0]  }
0x2: {  	s0 =	rddreg [dreg:$0x1]  }
0x3: {  	s2 =	rddreg [dreg:$0x2]  }
0x4: {  	s3 =	srdreg.scid;
	s4 =	simm.s32 $0x0;
	s13 =	stileid.u32  }
0x5: {  	s29 =	simm.s32 $0x7;
	s30 =	simm.s32 $0x40;
	s31 =	simm.s32 $0x5400  }
0x6: {  	s28 =	simm.s32 $0x5080;
	s3 =	sand.u32 $0x1, s3;
	[smem:$0x7FF] =	sst s4  }
0x7: {  	s6 =	sadd.s32 $0x29600, s0;
	s7 =	sadd.s32 $0x15600, s0;
	s9 =	sshll.u32 s13, $0x7  }
0x8: {  	s10 =	sadd.s32 $0x2A200, s0;
	s12 =	sadd.s32 $0x29C00, s0;
	s11 =	smul.u32 $0x50000, s13  }
0x9: {  	s18 =	sshll.u32 s13, $0x6;
	_ =	strace $0x80000047;
	[dreg:$0x4] =	wrdreg s6  }
0xa: {  	s25 =	smul.u32 $0x2800, s13;
	s5 =	sshll.u32 s3, $0x4;
	[dreg:$0x5] =	wrdreg s10  }
0xb: {  	s6 =	sadd.s32 $0x1600, s0;
	[dreg:$0x6] =	wrdreg s12;
	s9 =	sand.u32 $0x380, s9  }
0xc: {  	s14 =	ssub.s32 $0x2, s3;
	s20 =	sor.u32 $0x1C0A, s18;
	p0 =	seq.s32 s3, $0x1  }
0xd: {  	s3 =	simm.s32 $0x54A00;
	s18 =	simm.s32 $0x5380;
	s5 =	sor.u32 s13, s5  }
0xe: {  	s12 =	sshrl.u32 s14, $0x1;
	s17 =	sshrl.u32 s11, $0x2;
	s3 =	simm.s32 @!p0 $0x2CA00  }
0xf: {  	s13 =	simm.s32 $0x9400;
	s8 =	sshrl.u32 s5, $0x3;
	s10 =	smul.u32 $0x5000, s5  }
0x10: {  	[dreg:$0x7] =	wrdreg s20;
	s16 =	ssub.s32 s14, s12;
	s8 =	smul.u32 $0x14000, s8  }
0x11: {  	s26 =	smax.u32 s16, $0x1;
	s16 =	simm.s32 $0x4;
	s19 =	sshrl.u32 s10, $0x3  }
0x12: {  	[dreg:$0xf] =	wrdreg s26;
	s26 =	simm.s32 $0x5000;
	s8 =	sor.u32 s9, s8  }
0x13: {  	s9 =	sadd.s32 s17, s2;
	s21 =	sadd.s32 s7, s19;
	s22 =	sor.u32 $0x10, s19  }
0x14: {  	s14 =	sadd.s32 s6, s19;
	s24 =	sor.u32 $0x20, s19;
	s17 =	simm.s32 $0x3  }
0x15: {  	s19 =	simm.s32 $0x5;
	s8 =	sshrl.u32 s8, $0x3;
	[dreg:$0x8] =	wrdreg s21  }
0x16: {  	[dreg:$0x9] =	wrdreg s14;
	s23 =	sadd.s32 s7, s22;
	s11 =	sadd.s32 s6, s22  }
0x17: {  	s12 =	sadd.s32 s7, s24;
	s21 =	sshrl.u32 s9, $0x3;
	[dreg:$0xa] =	wrdreg s23  }
0x18: {  	s22 =	simm.s32 $0xA;
	s9 =	simm.s32 $0x5280;
	[dreg:$0xb] =	wrdreg s11  }
0x19: {  	s14 =	simm.s32 $0x2;
	s15 =	sadd.s32 s8, s0;
	[dreg:$0xc] =	wrdreg s12  }
0x1a: {  	s11 =	sadd.s32 s6, s24;
	s0 =	sadd.s32 s3, s0;
	s23 =	simm.s32 $0x2780  }
.Ltmp0:
0x1b: {  	s24 =	simm.s32 $0x4F80;
	s3 =	simm.s32 $0x7400;
	(pc) =	sbr.rel .LBB2_1-.Ltmp0, $4  }
0x1c: {  	s8 =	simm.s32 $0x1;
	s12 =	simm.s32 $0x9;
	[dreg:$0x11] =	wrdreg s21  }
0x1d: {  	[dreg:$0xd] =	wrdreg s11;
	s5 =	sadd.s32 $0x7CA00, s15;
	s0 =	sadd.s32 s0, s25  }
0x1e: {  	s15 =	simm.s32 $0x5300;
	s25 =	simm.s32 $0x0;
	[dreg:$0xe] =	wrdreg s5  }
0x1f: {  	[dreg:$0x10] =	wrdreg s0;
	s0 =	simm.s32 $0x8;
	s5 =	simm.s32 $0x5200  }
.LBB2_4:
0x20: {  	_ =	swait.ge [sflag:s8], $0x2000  }
0x21: {  	[sflag:s8] =	ssyncset.done $0x0  }
0x22: {  	[sflag:s8] =	ssyncadd.s32 $0xFFFFE000  }
0x23: {  	[spmem:s2] =	stream.indirect.scatter.add.f32 [tilespmem:s31], [sflag:$0x4], $0x80, s9, s30, $0xb8;
	[tilespmem:$0x1F400] =	vst v63  }
0x24: {  	v0 =	vld [tilespmem:$0x4F80];
	_ =	sdelay $0x4  }
0x25: {  	v1 =	vld [tilespmem:$0x5100];
	_ =	sdelay $0x2  }
0x26: {  	v0 =	vld.idx.msk [tilespmem:v0+s4+$0x0], $0xffff;
	_ =	sdelay $0x4  }
0x27: {  	[tilespmem:v1+s23+$0x0] =	vst.idx.add.f32.msk $0xffff, v0  }
0x28: {  	v0 =	vld [tilespmem:$0x4F90];
	_ =	sdelay $0x4  }
0x29: {  	v1 =	vld [tilespmem:$0x5110];
	_ =	sdelay $0x2  }
0x2a: {  	v0 =	vld.idx.msk [tilespmem:v0+s4+$0x0], $0xffff;
	_ =	sdelay $0x4  }
0x2b: {  	[tilespmem:v1+s23+$0x0] =	vst.idx.add.f32.msk $0xffff, v0  }
0x2c: {  	v0 =	vld [tilespmem:$0x4FA0];
	_ =	sdelay $0x4  }
0x2d: {  	v1 =	vld [tilespmem:$0x5120];
	_ =	sdelay $0x2  }
0x2e: {  	v0 =	vld.idx.msk [tilespmem:v0+s4+$0x0], $0xffff;
	_ =	sdelay $0x4  }
0x2f: {  	[tilespmem:v1+s23+$0x0] =	vst.idx.add.f32.msk $0xffff, v0  }
0x30: {  	v0 =	vld [tilespmem:$0x4FB0];
	_ =	sdelay $0x4  }
0x31: {  	v1 =	vld [tilespmem:$0x5130];
	_ =	sdelay $0x2  }
0x32: {  	v0 =	vld.idx.msk [tilespmem:v0+s4+$0x0], $0xffff;
	_ =	sdelay $0x4  }
0x33: {  	s11 =	simm.s32 $0x6;
	[tilespmem:v1+s23+$0x0] =	vst.idx.add.f32.msk $0xffff, v0  }
0x34: {  	_ =	swait.ge [sflag:s11], $0x2000  }
0x35: {  	[sflag:s11] =	ssyncset.done $0x0  }
0x36: {  	[sflag:s11] =	ssyncadd.s32 $0xFFFFE000  }
0x37: {  	_ =	swait.ge [sflag:s16], $0x2000  }
0x38: {  	[sflag:s16] =	ssyncset.done $0x0  }
0x39: {  	[sflag:s16] =	ssyncadd.s32 $0xFFFFE000  }
0x3a: {  	[bflag:$0x0] =	sbarrier.arrive $0xFFFF  }
0x3b: {  	s20 =	rddreg [dreg:$0x7]  }
0x3c: {  	s5 =	rddreg [dreg:$0x10]  }
0x3d: {  	s22 =	simm.s32 $0xA;
	s21 =	rddreg [dreg:$0x11]  }
0x3e: {  	[hbm:s5], [sflag:s20] =	dma.local [spmem:s21], $0x2800  }
0x3f: {  	_ =	swait.ge [sflag:s22], $0x2800  }
0x40: {  	s25 =	simm.s32 $0x80;
	[sflag:s22] =	ssyncset.done $0x0  }
0x41: {  	s5 =	simm.s32 $0x400;
	s11 =	rddreg [dreg:$0xe];
	[sflag:s22] =	ssyncadd.s32 $0xFFFFD800  }
0x42: {  	[hbm4b:s11+s25] =	stream.strided.scatter [tilespmem:s23], [sflag:$0xA], $0x2800, s5, s25, $0x38;
	[tilespmem:$0x1F400] =	vst v63  }
0x43: {  	_ =	swait.ge [sflag:s22], $0x2800  }
0x44: {  	s11 =	rddreg [dreg:$0x12]  }
0x45: {  	s25 =	sadd.s32 $0x1, s11;
	s11 =	rddreg [dreg:$0xf]  }
0x46: {  	p0 =	sne.s32 s25, s11  }
.Ltmp1:
0x47: {  	_ = 	snop;
	(pc) =	sbr.rel @!p0 .LBB2_5-.Ltmp1, $3  }
0x48: {  	_ =	sdelay $0x1  }
0x49: {  	[sflag:s22] =	ssyncset.done $0x0  }
0x4a: {  	s5 =	simm.s32 $0x5200;
	[sflag:s22] =	ssyncadd.s32 $0xFFFFD800  }
.LBB2_1:
0x4b: {  	[dreg:$0x12] =	wrdreg s25  }
0x4c: {  	s11 =	rddreg [dreg:$0x5]  }
0x4d: {  	[spmem:s21], [sflag:s20] =	dma.local [hbm:s11], $0x2800  }
0x4e: {  	_ =	swait.ge [sflag:s22], $0x2800  }
0x4f: {  	[sflag:s22] =	ssyncset.done $0x0  }
0x50: {  	s21 =	rddreg [dreg:$0x6];
	[sflag:s22] =	ssyncadd.s32 $0xFFFFD800  }
0x51: {  	[tilespmem:s23], [sflag:$0xA] =	stream.linear.gather [hbm4b:s21+s4], $0x2800, $0x38;
	[tilespmem:$0x1F400] =	vst v63  }
0x52: {  	_ =	swait.ge [sflag:s22], $0x2800  }
0x53: {  	[sflag:s22] =	ssyncset.done $0x0  }
0x54: {  	s25 =	rddreg [dreg:$0x4];
	[sflag:s22] =	ssyncadd.s32 $0xFFFFD800  }
0x55: {  	[tilespmem:s4], [sflag:$0xA] =	stream.linear.gather [hbm4b:s25+s4], $0x2780, $0x38;
	[tilespmem:$0x1F400] =	vst v63  }
0x56: {  	_ =	swait.ge [sflag:s22], $0x2780  }
0x57: {  	[sflag:s22] =	ssyncset.done $0x0  }
0x58: {  	[sflag:s22] =	ssyncadd.s32 $0xFFFFD880  }
0x59: {  	[bflag:$0x0] =	sbarrier.arrive $0xFFFF  }
0x5a: {  	s20 =	rddreg [dreg:$0x8]  }
0x5b: {  	[tilespmem:s24], [sflag:$0x7] =	stream.linear.gather [hbm4b:s20+s4], $0x80, $0x38;
	[tilespmem:$0x1F400] =	vst v63  }
0x5c: {  	s22 =	simm.s32 $0x5100;
	s21 =	rddreg [dreg:$0x9]  }
0x5d: {  	[tilespmem:s22], [sflag:$0x7] =	stream.linear.gather [hbm4b:s21+s4], $0x80, $0x38;
	[tilespmem:$0x1F400] =	vst v63  }
0x5e: {  	s25 =	rddreg [dreg:$0xa]  }
0x5f: {  	[tilespmem:s26], [sflag:$0x8] =	stream.linear.gather [hbm4b:s25+s4], $0x80, $0x38;
	[tilespmem:$0x1F400] =	vst v63  }
0x60: {  	s20 =	rddreg [dreg:$0xb];
	s21 =	simm.s32 $0x5180  }
0x61: {  	[tilespmem:s21], [sflag:$0x8] =	stream.linear.gather [hbm4b:s20+s4], $0x80, $0x38;
	[tilespmem:$0x1F400] =	vst v63  }
0x62: {  	_ =	swait.ge [sflag:s29], $0x80  }
0x63: {  	[sflag:s29] =	ssyncset.done $0x0  }
0x64: {  	[sflag:s29] =	ssyncadd.s32 $0xFFFFFF80  }
0x65: {  	_ =	swait.ge [sflag:s29], $0x80  }
0x66: {  	[sflag:s29] =	ssyncset.done $0x0  }
0x67: {  	[sflag:s29] =	ssyncadd.s32 $0xFFFFFF80  }
0x68: {  	v0 =	vld [tilespmem:$0x5100]  }
0x69: {  	v1 =	vld [tilespmem:$0x5110]  }
0x6a: {  	v2 =	vld [tilespmem:$0x5120]  }
0x6b: {  	v3 =	vld [tilespmem:$0x5130];
	_ =	sdelay $0x1  }
0x6c: {  	[tilespmem:$0x5280] =	vst v0  }
0x6d: {  	[tilespmem:$0x5290] =	vst v1  }
0x6e: {  	[tilespmem:$0x52A0] =	vst v2  }
0x6f: {  	[tilespmem:$0x52B0] =	vst v3  }
0x70: {  	[tilespmem:s31], [sflag:$0x1] =	stream.indirect.gather [hbm4b:s1+s30], $0x80, s24, s30, $0xb8;
	[tilespmem:$0x1F400] =	vst v63  }
0x71: {  	_ =	swait.ge [sflag:s0], $0x80  }
0x72: {  	[sflag:s0] =	ssyncset.done $0x0  }
0x73: {  	[sflag:s0] =	ssyncadd.s32 $0xFFFFFF80  }
0x74: {  	_ =	swait.ge [sflag:s0], $0x80  }
0x75: {  	[sflag:s0] =	ssyncset.done $0x0  }
0x76: {  	[sflag:s0] =	ssyncadd.s32 $0xFFFFFF80  }
0x77: {  	v60 =	vld [tilespmem:$0x5180]  }
0x78: {  	v61 =	vld [tilespmem:$0x5190]  }
0x79: {  	v62 =	vld [tilespmem:$0x51A0]  }
0x7a: {  	v63 =	vld [tilespmem:$0x51B0];
	_ =	sdelay $0x1  }
0x7b: {  	[tilespmem:$0x5300] =	vst v60  }
0x7c: {  	[tilespmem:$0x5310] =	vst v61  }
0x7d: {  	[tilespmem:$0x5320] =	vst v62  }
0x7e: {  	[tilespmem:$0x5330] =	vst v63  }
0x7f: {  	[tilespmem:s3], [sflag:$0x2] =	stream.indirect.gather [hbm4b:s1+s30], $0x80, s26, s30, $0xb8;
	[tilespmem:$0x1F400] =	vst v63  }
0x80: {  	s22 =	rddreg [dreg:$0xc]  }
0x81: {  	[tilespmem:s28], [sflag:$0x9] =	stream.linear.gather [hbm4b:s22+s4], $0x80, $0x38;
	[tilespmem:$0x1F400] =	vst v63  }
0x82: {  	s11 =	simm.s32 $0x280;
	s25 =	rddreg [dreg:$0xd]  }
0x83: {  	[tilespmem:s5], [sflag:$0x9] =	stream.linear.gather [hbm4b:s25+s4], $0x80, $0x38;
	[tilespmem:$0x1F400] =	vst v63  }
.LBB2_2:
0x84: {  	_ =	swait.ge [sflag:s8], $0x2000  }
0x85: {  	[sflag:s8] =	ssyncset.done $0x0  }
0x86: {  	[sflag:s8] =	ssyncadd.s32 $0xFFFFE000  }
0x87: {  	[spmem:s2] =	stream.indirect.scatter.add.f32 [tilespmem:s31], [sflag:$0x4], $0x80, s9, s30, $0xb8;
	[tilespmem:$0x1F400] =	vst v63  }
0x88: {  	v0 =	vld [tilespmem:$0x4F80];
	_ =	sdelay $0x4  }
0x89: {  	v1 =	vld [tilespmem:$0x5100];
	_ =	sdelay $0x2  }
0x8a: {  	v0 =	vld.idx.msk [tilespmem:v0+s4+$0x0], $0xffff;
	_ =	sdelay $0x4  }
0x8b: {  	[tilespmem:v1+s23+$0x0] =	vst.idx.add.f32.msk $0xffff, v0  }
0x8c: {  	v0 =	vld [tilespmem:$0x4F90];
	_ =	sdelay $0x4  }
0x8d: {  	v1 =	vld [tilespmem:$0x5110];
	_ =	sdelay $0x2  }
0x8e: {  	v0 =	vld.idx.msk [tilespmem:v0+s4+$0x0], $0xffff;
	_ =	sdelay $0x4  }
0x8f: {  	[tilespmem:v1+s23+$0x0] =	vst.idx.add.f32.msk $0xffff, v0  }
0x90: {  	v0 =	vld [tilespmem:$0x4FA0];
	_ =	sdelay $0x4  }
0x91: {  	v1 =	vld [tilespmem:$0x5120];
	_ =	sdelay $0x2  }
0x92: {  	v0 =	vld.idx.msk [tilespmem:v0+s4+$0x0], $0xffff;
	_ =	sdelay $0x4  }
0x93: {  	[tilespmem:v1+s23+$0x0] =	vst.idx.add.f32.msk $0xffff, v0  }
0x94: {  	v0 =	vld [tilespmem:$0x4FB0];
	_ =	sdelay $0x4  }
0x95: {  	v1 =	vld [tilespmem:$0x5130];
	_ =	sdelay $0x2  }
0x96: {  	v0 =	vld.idx.msk [tilespmem:v0+s4+$0x0], $0xffff;
	_ =	sdelay $0x3  }
0x97: {  	p0 =	seq.s32 s11, $0x280  }
0x98: {  	s21 =	simm.s32 @!p0 $0x6;
	[tilespmem:v1+s23+$0x0] =	vst.idx.add.f32.msk $0xffff, v0  }
0x99: {  	_ =	swait.ge @!p0 [sflag:s21], $0x2000  }
0x9a: {  	[sflag:s21] =	ssyncset.done @!p0 $0x0  }
0x9b: {  	[sflag:s21] =	ssyncadd.s32 @!p0 $0xFFFFE000  }
0x9c: {  	_ =	swait.ge [sflag:s12], $0x80  }
0x9d: {  	[sflag:s12] =	ssyncset.done $0x0  }
0x9e: {  	[sflag:s12] =	ssyncadd.s32 $0xFFFFFF80  }
0x9f: {  	_ =	swait.ge [sflag:s12], $0x80  }
0xa0: {  	[sflag:s12] =	ssyncset.done $0x0  }
0xa1: {  	[sflag:s12] =	ssyncadd.s32 $0xFFFFFF80  }
0xa2: {  	v54 =	vld [tilespmem:$0x5200]  }
0xa3: {  	v55 =	vld [tilespmem:$0x5210]  }
0xa4: {  	v2 =	vld [tilespmem:$0x5220]  }
0xa5: {  	s20 =	sadd.s32 $0xFFFFFF00, s11;
	v3 =	vld [tilespmem:$0x5230]  }
0xa6: {  	s22 =	sand.u32 $0xFC00, s20  }
0xa7: {  	s22 =	sadd.s32 s10, s22;
	s21 =	sand.u32 $0x380, s20;
	[tilespmem:$0x5380] =	vst v54  }
0xa8: {  	s21 =	sor.u32 s21, s22;
	[tilespmem:$0x5390] =	vst v55  }
0xa9: {  	s21 =	sshrl.u32 s21, $0x3;
	[tilespmem:$0x53A0] =	vst v2  }
0xaa: {  	s25 =	sadd.s32 s7, s21;
	[tilespmem:$0x53B0] =	vst v3  }
0xab: {  	[tilespmem:s24], [sflag:$0x7] =	stream.linear.gather [hbm4b:s25+s4], $0x80, $0x38;
	[tilespmem:$0x1F400] =	vst v63  }
0xac: {  	s20 =	simm.s32 $0x5100;
	s21 =	sadd.s32 s6, s21  }
0xad: {  	[tilespmem:s20], [sflag:$0x7] =	stream.linear.gather [hbm4b:s21+s4], $0x80, $0x38;
	[tilespmem:$0x1F400] =	vst v63  }
0xae: {  	_ = 	snop  }
0xaf: {  	[tilespmem:s13], [sflag:$0x3] =	stream.indirect.gather [hbm4b:s1+s30], $0x80, s28, s30, $0xb8;
	[tilespmem:$0x1F400] =	vst v63  }
0xb0: {  	_ =	swait.ge [sflag:s14], $0x2000  }
0xb1: {  	[sflag:s14] =	ssyncset.done $0x0  }
0xb2: {  	[sflag:s14] =	ssyncadd.s32 $0xFFFFE000  }
0xb3: {  	[spmem:s2] =	stream.indirect.scatter.add.f32 [tilespmem:s3], [sflag:$0x5], $0x80, s15, s30, $0xb8;
	[tilespmem:$0x1F400] =	vst v63  }
0xb4: {  	v56 =	vld [tilespmem:$0x5000];
	_ =	sdelay $0x4  }
0xb5: {  	v57 =	vld [tilespmem:$0x5180];
	_ =	sdelay $0x2  }
0xb6: {  	v0 =	vld.idx.msk [tilespmem:v56+s4+$0x0], $0xffff;
	_ =	sdelay $0x4  }
0xb7: {  	[tilespmem:v57+s23+$0x0] =	vst.idx.add.f32.msk $0xffff, v0  }
0xb8: {  	v0 =	vld [tilespmem:$0x5010];
	_ =	sdelay $0x4  }
0xb9: {  	v1 =	vld [tilespmem:$0x5190];
	_ =	sdelay $0x2  }
0xba: {  	v0 =	vld.idx.msk [tilespmem:v0+s4+$0x0], $0xffff;
	_ =	sdelay $0x4  }
0xbb: {  	[tilespmem:v1+s23+$0x0] =	vst.idx.add.f32.msk $0xffff, v0  }
0xbc: {  	v0 =	vld [tilespmem:$0x5020];
	_ =	sdelay $0x4  }
0xbd: {  	v1 =	vld [tilespmem:$0x51A0];
	_ =	sdelay $0x2  }
0xbe: {  	v0 =	vld.idx.msk [tilespmem:v0+s4+$0x0], $0xffff;
	_ =	sdelay $0x4  }
0xbf: {  	[tilespmem:v1+s23+$0x0] =	vst.idx.add.f32.msk $0xffff, v0  }
0xc0: {  	v0 =	vld [tilespmem:$0x5030];
	_ =	sdelay $0x4  }
0xc1: {  	v1 =	vld [tilespmem:$0x51B0];
	_ =	sdelay $0x2  }
0xc2: {  	v0 =	vld.idx.msk [tilespmem:v0+s4+$0x0], $0xffff;
	_ =	sdelay $0x4  }
0xc3: {  	[tilespmem:v1+s23+$0x0] =	vst.idx.add.f32.msk $0xffff, v0  }
0xc4: {  	_ =	swait.ge [sflag:s16], $0x2000  }
0xc5: {  	[sflag:s16] =	ssyncset.done $0x0  }
0xc6: {  	[sflag:s16] =	ssyncadd.s32 $0xFFFFE000  }
0xc7: {  	_ =	swait.ge [sflag:s29], $0x80  }
0xc8: {  	[sflag:s29] =	ssyncset.done $0x0  }
0xc9: {  	[sflag:s29] =	ssyncadd.s32 $0xFFFFFF80  }
0xca: {  	_ =	swait.ge [sflag:s29], $0x80  }
0xcb: {  	[sflag:s29] =	ssyncset.done $0x0  }
0xcc: {  	[sflag:s29] =	ssyncadd.s32 $0xFFFFFF80  }
0xcd: {  	v58 =	vld [tilespmem:$0x5100]  }
0xce: {  	v59 =	vld [tilespmem:$0x5110]  }
0xcf: {  	p0 =	seq.s32 s11, $0x5080;
	v60 =	vld [tilespmem:$0x5120]  }
0xd0: {  	s21 =	sadd.s32 @!p0 $0xFFFFFF80, s11;
	v61 =	vld [tilespmem:$0x5130]  }
0xd1: {  	s22 =	sand.u32 @!p0 $0xFC00, s21  }
0xd2: {  	s21 =	sand.u32 @!p0 $0x380, s21;
	s22 =	sadd.s32 @!p0 s10, s22;
	[tilespmem:$0x5280] =	vst v58  }
0xd3: {  	s21 =	sor.u32 @!p0 s21, s22;
	[tilespmem:$0x5290] =	vst v59  }
0xd4: {  	s21 =	sshrl.u32 @!p0 s21, $0x3;
	[tilespmem:$0x52A0] =	vst v60  }
0xd5: {  	s25 =	simm.s32 @!p0 $0x5000;
	s20 =	simm.s32 @!p0 $0x0;
	s22 =	sadd.s32 @!p0 s7, s21;
	[tilespmem:$0x52B0] =	vst v61  }
0xd6: {  	[tilespmem:s25], [sflag:$0x8] =	stream.linear.gather @!p0 [hbm4b:s22+s20], $0x80, $0x38;
	[tilespmem:$0x1F400] =	vst v63  }
0xd7: {  	s21 =	sadd.s32 @!p0 s6, s21;
	s22 =	simm.s32 @!p0 $0x5180  }
0xd8: {  	[tilespmem:s22], [sflag:$0x8] =	stream.linear.gather @!p0 [hbm4b:s21+s20], $0x80, $0x38;
	[tilespmem:$0x1F400] =	vst v63  }
0xd9: {  	_ = 	snop  }
0xda: {  	[tilespmem:s31], [sflag:$0x1] =	stream.indirect.gather [hbm4b:s1+s30], $0x80, s24, s30, $0xb8;
	[tilespmem:$0x1F400] =	vst v63  }
0xdb: {  	_ =	swait.ge [sflag:s17], $0x2000  }
0xdc: {  	[sflag:s17] =	ssyncset.done $0x0  }
0xdd: {  	[sflag:s17] =	ssyncadd.s32 $0xFFFFE000  }
0xde: {  	[spmem:s2] =	stream.indirect.scatter.add.f32 [tilespmem:s13], [sflag:$0x6], $0x80, s18, s30, $0xb8;
	[tilespmem:$0x1F400] =	vst v63  }
0xdf: {  	v62 =	vld [tilespmem:$0x5080];
	_ =	sdelay $0x4  }
0xe0: {  	v63 =	vld [tilespmem:$0x5200];
	_ =	sdelay $0x2  }
0xe1: {  	v0 =	vld.idx.msk [tilespmem:v62+s4+$0x0], $0xffff;
	_ =	sdelay $0x4  }
0xe2: {  	[tilespmem:v63+s23+$0x0] =	vst.idx.add.f32.msk $0xffff, v0  }
0xe3: {  	v0 =	vld [tilespmem:$0x5090];
	_ =	sdelay $0x4  }
0xe4: {  	v1 =	vld [tilespmem:$0x5210];
	_ =	sdelay $0x2  }
0xe5: {  	v0 =	vld.idx.msk [tilespmem:v0+s4+$0x0], $0xffff;
	_ =	sdelay $0x4  }
0xe6: {  	[tilespmem:v1+s23+$0x0] =	vst.idx.add.f32.msk $0xffff, v0  }
0xe7: {  	v0 =	vld [tilespmem:$0x50A0];
	_ =	sdelay $0x4  }
0xe8: {  	v1 =	vld [tilespmem:$0x5220];
	_ =	sdelay $0x2  }
0xe9: {  	v0 =	vld.idx.msk [tilespmem:v0+s4+$0x0], $0xffff;
	_ =	sdelay $0x4  }
0xea: {  	[tilespmem:v1+s23+$0x0] =	vst.idx.add.f32.msk $0xffff, v0  }
0xeb: {  	v0 =	vld [tilespmem:$0x50B0];
	_ =	sdelay $0x4  }
0xec: {  	v1 =	vld [tilespmem:$0x5230];
	_ =	sdelay $0x2  }
0xed: {  	v0 =	vld.idx.msk [tilespmem:v0+s4+$0x0], $0xffff;
	_ =	sdelay $0x3  }
.Ltmp2:
0xee: {  	_ = 	snop;
	(pc) =	sbr.rel @p0 .LBB2_4-.Ltmp2, $4  }
0xef: {  	[tilespmem:v1+s23+$0x0] =	vst.idx.add.f32.msk $0xffff, v0  }
0xf0: {  	_ =	swait.ge [sflag:s19], $0x2000  }
0xf1: {  	[sflag:s19] =	ssyncset.done $0x0  }
0xf2: {  	[sflag:s19] =	ssyncadd.s32 $0xFFFFE000  }
0xf3: {  	_ =	swait.ge [sflag:s0], $0x80  }
0xf4: {  	[sflag:s0] =	ssyncset.done $0x0  }
0xf5: {  	[sflag:s0] =	ssyncadd.s32 $0xFFFFFF80  }
0xf6: {  	_ =	swait.ge [sflag:s0], $0x80  }
0xf7: {  	[sflag:s0] =	ssyncset.done $0x0  }
0xf8: {  	[sflag:s0] =	ssyncadd.s32 $0xFFFFFF80  }
0xf9: {  	v0 =	vld [tilespmem:$0x5180]  }
0xfa: {  	v1 =	vld [tilespmem:$0x5190]  }
0xfb: {  	v2 =	vld [tilespmem:$0x51A0]  }
0xfc: {  	v3 =	vld [tilespmem:$0x51B0]  }
0xfd: {  	s20 =	sand.u32 $0xFC00, s11  }
0xfe: {  	s21 =	sand.u32 $0x380, s11;
	s20 =	sadd.s32 s10, s20;
	[tilespmem:$0x5300] =	vst v0  }
0xff: {  	s20 =	sor.u32 s21, s20;
	[tilespmem:$0x5310] =	vst v1  }
0x100: {  	s20 =	sshrl.u32 s20, $0x3;
	[tilespmem:$0x5320] =	vst v2  }
0x101: {  	s25 =	sadd.s32 s7, s20;
	[tilespmem:$0x5330] =	vst v3  }
0x102: {  	[tilespmem:s28], [sflag:$0x9] =	stream.linear.gather [hbm4b:s25+s4], $0x80, $0x38;
	[tilespmem:$0x1F400] =	vst v63  }
.Ltmp3:
0x103: {  	_ = 	snop;
	(pc) =	sbr.rel .LBB2_2-.Ltmp3, $4  }
0x104: {  	s20 =	sadd.s32 s6, s20  }
0x105: {  	[tilespmem:s5], [sflag:$0x9] =	stream.linear.gather [hbm4b:s20+s4], $0x80, $0x38;
	[tilespmem:$0x1F400] =	vst v63  }
0x106: {  	s11 =	sadd.s32 $0x180, s11  }
0x107: {  	[tilespmem:s3], [sflag:$0x2] =	stream.indirect.gather [hbm4b:s1+s30], $0x80, s26, s30, $0xb8;
	[tilespmem:$0x1F400] =	vst v63  }
.LBB2_5:
0x108: {  	_ =	sfence.sel $0x180000  }
0x109: {  	[bflag:$0x0] =	sbarrier.arrive $0xFFFF  }
0x10a: {  	_ =	strace $0x90000047  }
0x10b: {  	s0 =	stileid.u32;
	[bflag:$0x2] =	sbarrier.arrive $0xFFFF  }
0x10c: {  	p0 =	sne.s32 s0, $0x0;
	s0 =	rddreg [dreg:$0x3]  }
0x10d: {  	s0 =	sadd.s32 @!p0 $0x100000, s0  }
0x10e: {  	[sflag:s0] =	ssyncadd.tile.s32 @!p0 $0x1;
	_ =	shalt  }
.Lfunc_end2:
_tile_overlayer_lowered:
.L_overlay_start_2:
0x10f: {  	(tag) =	ssettag $0x2  }
0x110: {  	s0 =	rddreg [dreg:$0x0];
	s2 =	stileid.u32  }
0x111: {  	s1 =	rddreg [dreg:$0x1];
	p0 =	sne.s32 s2, $0x0  }
0x112: {  	s3 =	rddreg [dreg:$0x2];
	[bflag:$0x3] =	sbarrier.arrive $0xFFFF;
	s2 =	simm.s32 @!p0 $0x1C0A  }
0x113: {  	[timem:s3], [sflag:s2] =	dma.local @!p0 [hbm:s0], s1  }
0x114: {  	s0 =	simm.s32 @!p0 $0xA  }
0x115: {  	_ =	swait.ge @!p0 [sflag:s0], s1  }
0x116: {  	s1 =	ssub.s32 @!p0 $0x0, s1;
	[sflag:s0] =	ssyncset.done @!p0 $0x0  }
0x117: {  	[sflag:s0] =	ssyncadd.s32 @!p0 s1  }
0x118: {  	[bflag:$0x3] =	sbarrier.arrive $0xFFFF  }
0x119: {  	_ =	shalt  }

</sc_bundles>
